<compile_context>
chip_gen: v7x
topology: tpu7x:2x2x1
jax: 0.10.2.dev20260603
libtpu: 0.0.44.dev20260713+nightly
codegen_flags: <defaults>
</compile_context>

<pallas_src>
import functools

import jax
import jax.numpy as jnp
from jax import lax
from jax.experimental import pallas as pl
from jax.experimental.pallas import tpu as pltpu
from jax.experimental.pallas import tpu_sc as plsc

N = 10000
E = 320000
D = 128

NC = 2
NS = 16
NW = NC * NS
EPT = E // NW
BLK = 100
NBLK = EPT // BLK
NROW16 = N // 16
RPT = N // NS
CPT = 632
ZR1 = 320
ZR2 = CPT - ZR1

_mesh = plsc.VectorSubcoreMesh(core_axis_name="c", subcore_axis_name="s")


NP = 10240


DCH = 2500


@functools.partial(
    pl.kernel,
    out_type=jax.ShapeDtypeStruct((NW, NP), jnp.float32),
    mesh=_mesh,
    scratch_types=[
        pltpu.VMEM((DCH,), jnp.int32),
        pltpu.VMEM((NP,), jnp.float32),
    ],
    compiler_params=pltpu.CompilerParams(needs_layout_passes=False),
)
def _deg_kernel(dst_hbm, deg_hbm, dstv, degloc):
    c = lax.axis_index("c")
    s = lax.axis_index("s")
    chunk = c * NS + s
    zero16 = jnp.zeros((16,), jnp.float32)

    def _zero(i, _):
        degloc[pl.ds(i * 16, 16)] = zero16
        return 0

    lax.fori_loop(0, NP // 16, _zero, 0)

    ones16 = jnp.ones((16,), jnp.float32)

    def _hist(i, _):
        idx = dstv[pl.ds(i * 16, 16)]
        plsc.addupdate_scatter(degloc, [idx], ones16)
        return 0

    for q in range(EPT // DCH):
        pltpu.sync_copy(dst_hbm.at[chunk, q], dstv)
        lax.fori_loop(0, DCH // 16, _hist, 0)
    pltpu.sync_copy(degloc, deg_hbm.at[chunk])


HALF = N // NC
ACCR = 5120
SBLK = 112
EPC = E // NS
CAP = 20176
RPT2 = ACCR // NS
NSLOT = 2


@functools.partial(
    pl.kernel,
    out_type=jax.ShapeDtypeStruct((NC, ACCR, D), jnp.float32),
    mesh=_mesh,
    scratch_types=[
        pltpu.VMEM((CAP,), jnp.int32),
        pltpu.VMEM((CAP,), jnp.int32),
        [pltpu.VMEM((SBLK, D), jnp.float32) for _ in range(NSLOT)],
        pltpu.VMEM_SHARED((ACCR, D), jnp.float32),
        [pltpu.SemaphoreType.DMA for _ in range(NSLOT)],
    ],
    compiler_params=pltpu.CompilerParams(needs_layout_passes=False),
)
def _scatter_kernel(hw_hbm, src_hbm, dst_hbm, part_hbm,
                    sf, df, bufs, outsh, sems):
    c = lax.axis_index("c")
    s = lax.axis_index("s")
    pltpu.sync_copy(src_hbm.at[s], sf)
    pltpu.sync_copy(dst_hbm.at[s], df)

    lo = c * HALF

    def _compact(i, cnt):
        s16 = sf[pl.ds(i * 16, 16)]
        local = df[pl.ds(i * 16, 16)] - lo
        ok = (local >= 0) & (local < HALF)
        plsc.store_compressed(sf.at[pl.ds(cnt, 16)], s16, mask=ok)
        plsc.store_compressed(df.at[pl.ds(cnt, 16)], local, mask=ok)
        pc = jnp.max(plsc.all_reduce_population_count(ok))
        return cnt + pc

    cnt = lax.fori_loop(0, CAP // 16, _compact, jnp.int32(0))

    nbu = (cnt + SBLK - 1) // SBLK
    nb = (nbu + NSLOT - 1) // NSLOT * NSLOT
    zero16i = jnp.zeros((16,), jnp.int32)
    trash16 = jnp.full((16,), HALF, jnp.int32)
    npad = (nb * SBLK - cnt + 15) // 16

    def _pad(t, _):
        off = cnt + t * 16
        sf[pl.ds(off, 16)] = zero16i
        df[pl.ds(off, 16)] = trash16
        return 0

    lax.fori_loop(0, npad, _pad, 0)

    zero16 = jnp.zeros((16,), jnp.float32)

    def _zero(r, _):
        for k in range(D // 16):
            bufs[0][r, pl.ds(k * 16, 16)] = zero16
        return 0

    lax.fori_loop(0, SBLK, _zero, 0)
    base = s * RPT2
    for q in range(RPT2 // SBLK):
        pltpu.sync_copy(bufs[0], outsh.at[pl.ds(base + q * SBLK, SBLK)])
    plsc.subcore_barrier()

    def _issue(j, k):
        pltpu.async_copy(hw_hbm.at[sf.at[pl.ds(j * SBLK, SBLK)]],
                         bufs[k], sems[k])

    def _drain(j, k):
        pltpu.make_async_copy(hw_hbm.at[sf.at[pl.ds(j * SBLK, SBLK)]],
                              bufs[k], sems[k]).wait()

    for k in range(NSLOT):
        @pl.when(k < nb)
        def _(k=k):
            _issue(k, k)

    def _body(jj, _):
        j0 = jj * NSLOT
        for k in range(NSLOT):
            j = j0 + k
            _drain(j, k)
            pltpu.sync_copy(bufs[k], outsh.at[df.at[pl.ds(j * SBLK, SBLK)]],
                            add=True)

            @pl.when(j + NSLOT < nb)
            def _(j=j, k=k):
                _issue(j + NSLOT, k)
        return 0

    lax.fori_loop(0, nb // NSLOT, _body, 0)
    plsc.subcore_barrier()
    pltpu.sync_copy(outsh.at[pl.ds(base, RPT2)],
                    part_hbm.at[c, pl.ds(base, RPT2)])


_GB = 1000
_GRID = N // _GB
_HB = HALF // _GB


def _part_spec():
    return pl.BlockSpec((1, _GB, D), lambda i: (i // _HB, i % _HB, 0))


def _mm_body(h_ref, w_ref, o_ref):
    o_ref[...] = lax.dot_general(
        h_ref[...], w_ref[...], (((1,), (1,)), ((), ())),
        preferred_element_type=jnp.float32)


def _matmul(h, w):
    return pl.pallas_call(
        _mm_body,
        grid=(_GRID,),
        in_specs=[pl.BlockSpec((_GB, D), lambda i: (i, 0)),
                  pl.BlockSpec((D, D), lambda i: (0, 0))],
        out_specs=pl.BlockSpec((_GB, D), lambda i: (i, 0)),
        out_shape=jax.ShapeDtypeStruct((N, D), jnp.float32),
    )(h, w)


def _dis_body(degp_ref, o_ref):
    deg = jnp.sum(degp_ref[...], axis=0)
    o_ref[...] = lax.rsqrt(deg + 1.0)


def _dis(degp):
    return pl.pallas_call(
        _dis_body,
        out_shape=jax.ShapeDtypeStruct((NP // 128, 128), jnp.float32),
    )(degp)


def _scale_body(hw_ref, dis_ref, o_ref):
    o_ref[...] = hw_ref[...] * dis_ref[...]


def _scale(hw, dis):
    return pl.pallas_call(
        _scale_body,
        grid=(_GRID,),
        in_specs=[pl.BlockSpec((_GB, D), lambda i: (i, 0)),
                  pl.BlockSpec((_GB, 1), lambda i: (i, 0))],
        out_specs=pl.BlockSpec((_GB, D), lambda i: (i, 0)),
        out_shape=jax.ShapeDtypeStruct((N, D), jnp.float32),
    )(hw, dis)


def _mid_body(p_ref, hwp_ref, dis_ref, b_ref, w_ref, o_ref):
    h1 = dis_ref[...] * (p_ref[0] + hwp_ref[...]) + b_ref[...]
    o_ref[...] = lax.dot_general(
        h1, w_ref[...], (((1,), (1,)), ((), ())),
        preferred_element_type=jnp.float32) * dis_ref[...]


def _mid(part, hwp, dis, b2, w):
    return pl.pallas_call(
        _mid_body,
        grid=(_GRID,),
        in_specs=[_part_spec(),
                  pl.BlockSpec((_GB, D), lambda i: (i, 0)),
                  pl.BlockSpec((_GB, 1), lambda i: (i, 0)),
                  pl.BlockSpec((1, D), lambda i: (0, 0)),
                  pl.BlockSpec((D, D), lambda i: (0, 0))],
        out_specs=pl.BlockSpec((_GB, D), lambda i: (i, 0)),
        out_shape=jax.ShapeDtypeStruct((N, D), jnp.float32),
    )(part, hwp, dis, b2, w)


def _fin_body(p_ref, hwp_ref, dis_ref, b_ref, o_ref):
    o_ref[...] = dis_ref[...] * (p_ref[0] + hwp_ref[...]) + b_ref[...]


def _fin(part, hwp, dis, b2):
    return pl.pallas_call(
        _fin_body,
        grid=(_GRID,),
        in_specs=[_part_spec(),
                  pl.BlockSpec((_GB, D), lambda i: (i, 0)),
                  pl.BlockSpec((_GB, 1), lambda i: (i, 0)),
                  pl.BlockSpec((1, D), lambda i: (0, 0))],
        out_specs=pl.BlockSpec((_GB, D), lambda i: (i, 0)),
        out_shape=jax.ShapeDtypeStruct((N, D), jnp.float32),
    )(part, hwp, dis, b2)


def kernel(in_feat, g, W, b):
    src = jnp.pad(g[0].reshape(NS, EPC), ((0, 0), (0, CAP - EPC)))
    dst = jnp.pad(g[1].reshape(NS, EPC), ((0, 0), (0, CAP - EPC)),
                  constant_values=N)
    dstf = g[1].reshape(NW, EPT // DCH, DCH)

    degp = _deg_kernel(dstf)
    hw1 = _matmul(in_feat, W)
    dis = _dis(degp.reshape(NW, NP // 128, 128)).reshape(NP, 1)[:N]
    hw1p = _scale(hw1, dis)
    b2 = b.reshape(1, D)

    part1 = _scatter_kernel(hw1p, src, dst)
    hw2p = _mid(part1, hw1p, dis, b2, W)
    part2 = _scatter_kernel(hw2p, src, dst)
    return _fin(part2, hw2p, dis, b2)

# --- scband reference (transcript-rebuilt; emitter-appended) ---
"""Pipeline reference for scband-gcn-1297080123648 (READ-ONLY COPY).

The authoritative reference and input builder live on the scoring server;
editing this copy changes nothing except your own understanding.
"""

import jax, jax.numpy as jnp
import numpy as np

N = 10000
E = 320000
D = 128
PROP_STEP = 2


def setup_inputs(seed: int = 0) -> dict:
    key = jax.random.key(seed)
    k1, k2, k3, k4 = jax.random.split(key, 4)
    in_feat = jax.random.normal(k1, (N, D), dtype=jnp.float32)
    g = jax.random.randint(k2, (2, E), 0, N, dtype=jnp.int32)
    # GCNConv parameters (in_feats == h_feats so self.lin is Identity)
    W = jax.random.normal(k3, (D, D), dtype=jnp.float32) * (1.0 / np.sqrt(D))
    b = jax.random.normal(k4, (D,), dtype=jnp.float32) * 0.01
    return {"in_feat": in_feat, "g": g, "W": W, "b": b}


def _gcn_conv(h, src, dst, W, b, num_nodes):
    # PyG GCNConv: x' = W x, add self-loops, symmetric deg^-1/2 normalization, scatter-add
    loop = jnp.arange(num_nodes, dtype=src.dtype)
    s = jnp.concatenate([src, loop])
    d = jnp.concatenate([dst, loop])
    hw = h @ W.T
    deg = jnp.zeros((num_nodes,), dtype=h.dtype).at[d].add(1.0)
    deg_inv_sqrt = jnp.where(deg > 0, jax.lax.rsqrt(jnp.maximum(deg, 1e-12)), 0.0)
    norm = deg_inv_sqrt[s] * deg_inv_sqrt[d]
    msg = hw[s] * norm[:, None]
    out = jnp.zeros_like(hw).at[d].add(msg)
    return out + b


def reference(in_feat, g, W, b):
    src = g[0]
    dst = g[1]
    # lin is Identity (in_feats == h_feats); norm=False, relu=False, res=False
    h = in_feat
    for _ in range(PROP_STEP):
        h = _gcn_conv(h, src, dst, W, b, N)
    return h

if __name__ == "__main__":
    import jax
    _d = setup_inputs()
    print(jax.jit(kernel)(*tuple(_d.values())))

</pallas_src>

<mosaic_0001>
#map = affine_map<(d0, d1) -> (0, 0, 0)>
#map1 = affine_map<(d0, d1) -> (0, 0)>
module attributes {stable_mosaic.version = 14 : i64} {
  func.func @_deg_kernel(%arg0: i32, %arg1: i32, %arg2: memref<32x4x2500xi32, #tpu.memory_space<hbm>>, %arg3: memref<32x10240xf32, #tpu.memory_space<hbm>>, %arg4: memref<2500xi32, #tpu.memory_space<vmem>>, %arg5: memref<10240xf32, #tpu.memory_space<vmem>>) attributes {dimension_semantics = [#tpu.dimension_semantics<core_parallel>, #tpu.dimension_semantics<subcore_parallel>], iteration_bounds = array<i64: 2, 16>, scalar_prefetch = 0 : i64, scratch_operands = 2 : i64, tpu.core_type = #tpu.core_type<sc_vector_subcore>, window_params = [{transform_indices = #map}, {transform_indices = #map1}]} {
    %mul3A = arith.constant 16 : i32
    %mul3A_0 = arith.muli %arg0, %mul3A : i32
    %add3A = arith.addi %mul3A_0, %arg1 : i32
    %broadcast_in_dim3A = arith.constant 0.000000e+00 : f32
    %broadcast_in_dim3A_1 = vector.broadcast %broadcast_in_dim3A : f32 to vector<16xf32>
    %scan3A = arith.constant 0 : i32
    %scan3A_2 = arith.constant 0 : i32
    %scan3A_3 = arith.constant 640 : i32
    %scan3A_4 = arith.addi %scan3A_2, %scan3A_3 : i32
    %scan3A_5 = arith.constant 1 : i32
    %scan3A_6 = scf.for %scan3A_41 = %scan3A_2 to %scan3A_4 step %scan3A_5 iter_args(%scan3A_42 = %scan3A) -> (i32)  : i32 {
      %mul3A_43 = arith.constant 16 : i32
      %mul3A_44 = arith.muli %scan3A_41, %mul3A_43 : i32
      %swap3A = arith.index_cast %mul3A_44 : i32 to index
      %swap3A_45 = tpu.vector_load %arg5[%swap3A] {strides = array<i32>} : memref<10240xf32, #tpu.memory_space<vmem>>, vector<16xf32>,
      tpu.vector_store %arg5[%swap3A], %broadcast_in_dim3A_1 {strides = array<i32>} : memref<10240xf32, #tpu.memory_space<vmem>>, vector<16xf32>,
      %scan3A_46 = arith.constant 0 : i32
      scf.yield %scan3A_46 : i32
    }
    %scan3A_7 = arith.constant 640 : i32
    %broadcast_in_dim3A_8 = arith.constant 1.000000e+00 : f32
    %broadcast_in_dim3A_9 = vector.broadcast %broadcast_in_dim3A_8 : f32 to vector<16xf32>
    %run_scoped3A = arith.constant 0 : i32
    "tpu.region"() ({
      %run_scoped3A_41 = tpu.sem_alloc : memref<!tpu.dma_semaphore, #tpu.memory_space<semaphore_mem>>
      %dma_start3A = arith.constant 0 : i32
      %dma_start3A_42 = tpu.memref_slice %arg2[%add3A, %run_scoped3A, %dma_start3A] : memref<32x4x2500xi32, #tpu.memory_space<hbm>> -> memref<1x1x2500xi32, #tpu.memory_space<hbm>>
      %dma_start3A_43 = tpu.memref_squeeze %dma_start3A_42 : memref<1x1x2500xi32, #tpu.memory_space<hbm>> -> memref<2500xi32, #tpu.memory_space<hbm>>
      %dma_start3A_44 = arith.constant 0 : i32
      %dma_start3A_45 = tpu.memref_slice %arg2[%add3A, %run_scoped3A, %dma_start3A_44] : memref<32x4x2500xi32, #tpu.memory_space<hbm>> -> memref<1x1x2500xi32, #tpu.memory_space<hbm>>
      %dma_start3A_46 = tpu.memref_squeeze %dma_start3A_45 : memref<1x1x2500xi32, #tpu.memory_space<hbm>> -> memref<2500xi32, #tpu.memory_space<hbm>>
      tpu.enqueue_dma source(%dma_start3A_46 : memref<2500xi32, #tpu.memory_space<hbm>>) target(%arg4 : memref<2500xi32, #tpu.memory_space<vmem>>) target_semaphore(%run_scoped3A_41 : memref<!tpu.dma_semaphore, #tpu.memory_space<semaphore_mem>>)
      %dma_wait3A = arith.constant 0 : i32
      %dma_wait3A_47 = tpu.memref_slice %arg2[%add3A, %run_scoped3A, %dma_wait3A] : memref<32x4x2500xi32, #tpu.memory_space<hbm>> -> memref<1x1x2500xi32, #tpu.memory_space<hbm>>
      %dma_wait3A_48 = tpu.memref_squeeze %dma_wait3A_47 : memref<1x1x2500xi32, #tpu.memory_space<hbm>> -> memref<2500xi32, #tpu.memory_space<hbm>>
      %dma_wait3A_49 = arith.constant 0 : i32
      %dma_wait3A_50 = tpu.memref_slice %arg2[%add3A, %run_scoped3A, %dma_wait3A_49] : memref<32x4x2500xi32, #tpu.memory_space<hbm>> -> memref<1x1x2500xi32, #tpu.memory_space<hbm>>
      %dma_wait3A_51 = tpu.memref_squeeze %dma_wait3A_50 : memref<1x1x2500xi32, #tpu.memory_space<hbm>> -> memref<2500xi32, #tpu.memory_space<hbm>>
      tpu.wait_dma2 semaphore(%run_scoped3A_41 : memref<!tpu.dma_semaphore, #tpu.memory_space<semaphore_mem>>) src(%dma_wait3A_51 : memref<2500xi32, #tpu.memory_space<hbm>>) dst(%arg4 : memref<2500xi32, #tpu.memory_space<vmem>>)
      tpu.yield
    }) : () -> ()
    %scan3A_10 = arith.constant 0 : i32
    %scan3A_11 = arith.constant 0 : i32
    %scan3A_12 = arith.constant 156 : i32
    %scan3A_13 = arith.addi %scan3A_11, %scan3A_12 : i32
    %scan3A_14 = arith.constant 1 : i32
    %scan3A_15 = scf.for %scan3A_41 = %scan3A_11 to %scan3A_13 step %scan3A_14 iter_args(%scan3A_42 = %scan3A_10) -> (i32)  : i32 {
      %mul3A_43 = arith.constant 16 : i32
      %mul3A_44 = arith.muli %scan3A_41, %mul3A_43 : i32
      %get3A = arith.index_cast %mul3A_44 : i32 to index
      %get3A_45 = tpu.vector_load %arg4[%get3A] {strides = array<i32>} : memref<2500xi32, #tpu.memory_space<vmem>>, vector<16xi32>,
      tpu.vector_store_idx %arg5[%get3A_45], %broadcast_in_dim3A_9 {add = true} : memref<10240xf32, #tpu.memory_space<vmem>>[vector<16xi32>], vector<16xf32>,
      %scan3A_46 = arith.constant 0 : i32
      scf.yield %scan3A_46 : i32
    }
    %scan3A_16 = arith.constant 156 : i32
    %run_scoped3A_17 = arith.constant 1 : i32
    "tpu.region"() ({
      %run_scoped3A_41 = tpu.sem_alloc : memref<!tpu.dma_semaphore, #tpu.memory_space<semaphore_mem>>
      %dma_start3A = arith.constant 0 : i32
      %dma_start3A_42 = tpu.memref_slice %arg2[%add3A, %run_scoped3A_17, %dma_start3A] : memref<32x4x2500xi32, #tpu.memory_space<hbm>> -> memref<1x1x2500xi32, #tpu.memory_space<hbm>>
      %dma_start3A_43 = tpu.memref_squeeze %dma_start3A_42 : memref<1x1x2500xi32, #tpu.memory_space<hbm>> -> memref<2500xi32, #tpu.memory_space<hbm>>
      %dma_start3A_44 = arith.constant 0 : i32
      %dma_start3A_45 = tpu.memref_slice %arg2[%add3A, %run_scoped3A_17, %dma_start3A_44] : memref<32x4x2500xi32, #tpu.memory_space<hbm>> -> memref<1x1x2500xi32, #tpu.memory_space<hbm>>
      %dma_start3A_46 = tpu.memref_squeeze %dma_start3A_45 : memref<1x1x2500xi32, #tpu.memory_space<hbm>> -> memref<2500xi32, #tpu.memory_space<hbm>>
      tpu.enqueue_dma source(%dma_start3A_46 : memref<2500xi32, #tpu.memory_space<hbm>>) target(%arg4 : memref<2500xi32, #tpu.memory_space<vmem>>) target_semaphore(%run_scoped3A_41 : memref<!tpu.dma_semaphore, #tpu.memory_space<semaphore_mem>>)
      %dma_wait3A = arith.constant 0 : i32
      %dma_wait3A_47 = tpu.memref_slice %arg2[%add3A, %run_scoped3A_17, %dma_wait3A] : memref<32x4x2500xi32, #tpu.memory_space<hbm>> -> memref<1x1x2500xi32, #tpu.memory_space<hbm>>
      %dma_wait3A_48 = tpu.memref_squeeze %dma_wait3A_47 : memref<1x1x2500xi32, #tpu.memory_space<hbm>> -> memref<2500xi32, #tpu.memory_space<hbm>>
      %dma_wait3A_49 = arith.constant 0 : i32
      %dma_wait3A_50 = tpu.memref_slice %arg2[%add3A, %run_scoped3A_17, %dma_wait3A_49] : memref<32x4x2500xi32, #tpu.memory_space<hbm>> -> memref<1x1x2500xi32, #tpu.memory_space<hbm>>
      %dma_wait3A_51 = tpu.memref_squeeze %dma_wait3A_50 : memref<1x1x2500xi32, #tpu.memory_space<hbm>> -> memref<2500xi32, #tpu.memory_space<hbm>>
      tpu.wait_dma2 semaphore(%run_scoped3A_41 : memref<!tpu.dma_semaphore, #tpu.memory_space<semaphore_mem>>) src(%dma_wait3A_51 : memref<2500xi32, #tpu.memory_space<hbm>>) dst(%arg4 : memref<2500xi32, #tpu.memory_space<vmem>>)
      tpu.yield
    }) : () -> ()
    %scan3A_18 = arith.constant 0 : i32
    %scan3A_19 = arith.constant 0 : i32
    %scan3A_20 = arith.constant 156 : i32
    %scan3A_21 = arith.addi %scan3A_19, %scan3A_20 : i32
    %scan3A_22 = arith.constant 1 : i32
    %scan3A_23 = scf.for %scan3A_41 = %scan3A_19 to %scan3A_21 step %scan3A_22 iter_args(%scan3A_42 = %scan3A_18) -> (i32)  : i32 {
      %mul3A_43 = arith.constant 16 : i32
      %mul3A_44 = arith.muli %scan3A_41, %mul3A_43 : i32
      %get3A = arith.index_cast %mul3A_44 : i32 to index
      %get3A_45 = tpu.vector_load %arg4[%get3A] {strides = array<i32>} : memref<2500xi32, #tpu.memory_space<vmem>>, vector<16xi32>,
      tpu.vector_store_idx %arg5[%get3A_45], %broadcast_in_dim3A_9 {add = true} : memref<10240xf32, #tpu.memory_space<vmem>>[vector<16xi32>], vector<16xf32>,
      %scan3A_46 = arith.constant 0 : i32
      scf.yield %scan3A_46 : i32
    }
    %scan3A_24 = arith.constant 156 : i32
    %run_scoped3A_25 = arith.constant 2 : i32
    "tpu.region"() ({
      %run_scoped3A_41 = tpu.sem_alloc : memref<!tpu.dma_semaphore, #tpu.memory_space<semaphore_mem>>
      %dma_start3A = arith.constant 0 : i32
      %dma_start3A_42 = tpu.memref_slice %arg2[%add3A, %run_scoped3A_25, %dma_start3A] : memref<32x4x2500xi32, #tpu.memory_space<hbm>> -> memref<1x1x2500xi32, #tpu.memory_space<hbm>>
      %dma_start3A_43 = tpu.memref_squeeze %dma_start3A_42 : memref<1x1x2500xi32, #tpu.memory_space<hbm>> -> memref<2500xi32, #tpu.memory_space<hbm>>
      %dma_start3A_44 = arith.constant 0 : i32
      %dma_start3A_45 = tpu.memref_slice %arg2[%add3A, %run_scoped3A_25, %dma_start3A_44] : memref<32x4x2500xi32, #tpu.memory_space<hbm>> -> memref<1x1x2500xi32, #tpu.memory_space<hbm>>
      %dma_start3A_46 = tpu.memref_squeeze %dma_start3A_45 : memref<1x1x2500xi32, #tpu.memory_space<hbm>> -> memref<2500xi32, #tpu.memory_space<hbm>>
      tpu.enqueue_dma source(%dma_start3A_46 : memref<2500xi32, #tpu.memory_space<hbm>>) target(%arg4 : memref<2500xi32, #tpu.memory_space<vmem>>) target_semaphore(%run_scoped3A_41 : memref<!tpu.dma_semaphore, #tpu.memory_space<semaphore_mem>>)
      %dma_wait3A = arith.constant 0 : i32
      %dma_wait3A_47 = tpu.memref_slice %arg2[%add3A, %run_scoped3A_25, %dma_wait3A] : memref<32x4x2500xi32, #tpu.memory_space<hbm>> -> memref<1x1x2500xi32, #tpu.memory_space<hbm>>
      %dma_wait3A_48 = tpu.memref_squeeze %dma_wait3A_47 : memref<1x1x2500xi32, #tpu.memory_space<hbm>> -> memref<2500xi32, #tpu.memory_space<hbm>>
      %dma_wait3A_49 = arith.constant 0 : i32
      %dma_wait3A_50 = tpu.memref_slice %arg2[%add3A, %run_scoped3A_25, %dma_wait3A_49] : memref<32x4x2500xi32, #tpu.memory_space<hbm>> -> memref<1x1x2500xi32, #tpu.memory_space<hbm>>
      %dma_wait3A_51 = tpu.memref_squeeze %dma_wait3A_50 : memref<1x1x2500xi32, #tpu.memory_space<hbm>> -> memref<2500xi32, #tpu.memory_space<hbm>>
      tpu.wait_dma2 semaphore(%run_scoped3A_41 : memref<!tpu.dma_semaphore, #tpu.memory_space<semaphore_mem>>) src(%dma_wait3A_51 : memref<2500xi32, #tpu.memory_space<hbm>>) dst(%arg4 : memref<2500xi32, #tpu.memory_space<vmem>>)
      tpu.yield
    }) : () -> ()
    %scan3A_26 = arith.constant 0 : i32
    %scan3A_27 = arith.constant 0 : i32
    %scan3A_28 = arith.constant 156 : i32
    %scan3A_29 = arith.addi %scan3A_27, %scan3A_28 : i32
    %scan3A_30 = arith.constant 1 : i32
    %scan3A_31 = scf.for %scan3A_41 = %scan3A_27 to %scan3A_29 step %scan3A_30 iter_args(%scan3A_42 = %scan3A_26) -> (i32)  : i32 {
      %mul3A_43 = arith.constant 16 : i32
      %mul3A_44 = arith.muli %scan3A_41, %mul3A_43 : i32
      %get3A = arith.index_cast %mul3A_44 : i32 to index
      %get3A_45 = tpu.vector_load %arg4[%get3A] {strides = array<i32>} : memref<2500xi32, #tpu.memory_space<vmem>>, vector<16xi32>,
      tpu.vector_store_idx %arg5[%get3A_45], %broadcast_in_dim3A_9 {add = true} : memref<10240xf32, #tpu.memory_space<vmem>>[vector<16xi32>], vector<16xf32>,
      %scan3A_46 = arith.constant 0 : i32
      scf.yield %scan3A_46 : i32
    }
    %scan3A_32 = arith.constant 156 : i32
    %run_scoped3A_33 = arith.constant 3 : i32
    "tpu.region"() ({
      %run_scoped3A_41 = tpu.sem_alloc : memref<!tpu.dma_semaphore, #tpu.memory_space<semaphore_mem>>
      %dma_start3A = arith.constant 0 : i32
      %dma_start3A_42 = tpu.memref_slice %arg2[%add3A, %run_scoped3A_33, %dma_start3A] : memref<32x4x2500xi32, #tpu.memory_space<hbm>> -> memref<1x1x2500xi32, #tpu.memory_space<hbm>>
      %dma_start3A_43 = tpu.memref_squeeze %dma_start3A_42 : memref<1x1x2500xi32, #tpu.memory_space<hbm>> -> memref<2500xi32, #tpu.memory_space<hbm>>
      %dma_start3A_44 = arith.constant 0 : i32
      %dma_start3A_45 = tpu.memref_slice %arg2[%add3A, %run_scoped3A_33, %dma_start3A_44] : memref<32x4x2500xi32, #tpu.memory_space<hbm>> -> memref<1x1x2500xi32, #tpu.memory_space<hbm>>
      %dma_start3A_46 = tpu.memref_squeeze %dma_start3A_45 : memref<1x1x2500xi32, #tpu.memory_space<hbm>> -> memref<2500xi32, #tpu.memory_space<hbm>>
      tpu.enqueue_dma source(%dma_start3A_46 : memref<2500xi32, #tpu.memory_space<hbm>>) target(%arg4 : memref<2500xi32, #tpu.memory_space<vmem>>) target_semaphore(%run_scoped3A_41 : memref<!tpu.dma_semaphore, #tpu.memory_space<semaphore_mem>>)
      %dma_wait3A = arith.constant 0 : i32
      %dma_wait3A_47 = tpu.memref_slice %arg2[%add3A, %run_scoped3A_33, %dma_wait3A] : memref<32x4x2500xi32, #tpu.memory_space<hbm>> -> memref<1x1x2500xi32, #tpu.memory_space<hbm>>
      %dma_wait3A_48 = tpu.memref_squeeze %dma_wait3A_47 : memref<1x1x2500xi32, #tpu.memory_space<hbm>> -> memref<2500xi32, #tpu.memory_space<hbm>>
      %dma_wait3A_49 = arith.constant 0 : i32
      %dma_wait3A_50 = tpu.memref_slice %arg2[%add3A, %run_scoped3A_33, %dma_wait3A_49] : memref<32x4x2500xi32, #tpu.memory_space<hbm>> -> memref<1x1x2500xi32, #tpu.memory_space<hbm>>
      %dma_wait3A_51 = tpu.memref_squeeze %dma_wait3A_50 : memref<1x1x2500xi32, #tpu.memory_space<hbm>> -> memref<2500xi32, #tpu.memory_space<hbm>>
      tpu.wait_dma2 semaphore(%run_scoped3A_41 : memref<!tpu.dma_semaphore, #tpu.memory_space<semaphore_mem>>) src(%dma_wait3A_51 : memref<2500xi32, #tpu.memory_space<hbm>>) dst(%arg4 : memref<2500xi32, #tpu.memory_space<vmem>>)
      tpu.yield
    }) : () -> ()
    %scan3A_34 = arith.constant 0 : i32
    %scan3A_35 = arith.constant 0 : i32
    %scan3A_36 = arith.constant 156 : i32
    %scan3A_37 = arith.addi %scan3A_35, %scan3A_36 : i32
    %scan3A_38 = arith.constant 1 : i32
    %scan3A_39 = scf.for %scan3A_41 = %scan3A_35 to %scan3A_37 step %scan3A_38 iter_args(%scan3A_42 = %scan3A_34) -> (i32)  : i32 {
      %mul3A_43 = arith.constant 16 : i32
      %mul3A_44 = arith.muli %scan3A_41, %mul3A_43 : i32
      %get3A = arith.index_cast %mul3A_44 : i32 to index
      %get3A_45 = tpu.vector_load %arg4[%get3A] {strides = array<i32>} : memref<2500xi32, #tpu.memory_space<vmem>>, vector<16xi32>,
      tpu.vector_store_idx %arg5[%get3A_45], %broadcast_in_dim3A_9 {add = true} : memref<10240xf32, #tpu.memory_space<vmem>>[vector<16xi32>], vector<16xf32>,
      %scan3A_46 = arith.constant 0 : i32
      scf.yield %scan3A_46 : i32
    }
    %scan3A_40 = arith.constant 156 : i32
    "tpu.region"() ({
      %run_scoped3A_41 = tpu.sem_alloc : memref<!tpu.dma_semaphore, #tpu.memory_space<semaphore_mem>>
      %dma_start3A = arith.constant 0 : i32
      %dma_start3A_42 = tpu.memref_slice %arg3[%add3A, %dma_start3A] : memref<32x10240xf32, #tpu.memory_space<hbm>> -> memref<1x10240xf32, #tpu.memory_space<hbm>>
      %dma_start3A_43 = tpu.memref_squeeze %dma_start3A_42 : memref<1x10240xf32, #tpu.memory_space<hbm>> -> memref<10240xf32, #tpu.memory_space<hbm>>
      %dma_start3A_44 = arith.constant 0 : i32
      %dma_start3A_45 = tpu.memref_slice %arg3[%add3A, %dma_start3A_44] : memref<32x10240xf32, #tpu.memory_space<hbm>> -> memref<1x10240xf32, #tpu.memory_space<hbm>>
      %dma_start3A_46 = tpu.memref_squeeze %dma_start3A_45 : memref<1x10240xf32, #tpu.memory_space<hbm>> -> memref<10240xf32, #tpu.memory_space<hbm>>
      tpu.enqueue_dma source(%arg5 : memref<10240xf32, #tpu.memory_space<vmem>>) target(%dma_start3A_46 : memref<10240xf32, #tpu.memory_space<hbm>>) target_semaphore(%run_scoped3A_41 : memref<!tpu.dma_semaphore, #tpu.memory_space<semaphore_mem>>)
      %dma_wait3A = arith.constant 0 : i32
      %dma_wait3A_47 = tpu.memref_slice %arg3[%add3A, %dma_wait3A] : memref<32x10240xf32, #tpu.memory_space<hbm>> -> memref<1x10240xf32, #tpu.memory_space<hbm>>
      %dma_wait3A_48 = tpu.memref_squeeze %dma_wait3A_47 : memref<1x10240xf32, #tpu.memory_space<hbm>> -> memref<10240xf32, #tpu.memory_space<hbm>>
      %dma_wait3A_49 = arith.constant 0 : i32
      %dma_wait3A_50 = tpu.memref_slice %arg3[%add3A, %dma_wait3A_49] : memref<32x10240xf32, #tpu.memory_space<hbm>> -> memref<1x10240xf32, #tpu.memory_space<hbm>>
      %dma_wait3A_51 = tpu.memref_squeeze %dma_wait3A_50 : memref<1x10240xf32, #tpu.memory_space<hbm>> -> memref<10240xf32, #tpu.memory_space<hbm>>
      tpu.wait_dma2 semaphore(%run_scoped3A_41 : memref<!tpu.dma_semaphore, #tpu.memory_space<semaphore_mem>>) src(%arg5 : memref<10240xf32, #tpu.memory_space<vmem>>) dst(%dma_wait3A_51 : memref<10240xf32, #tpu.memory_space<hbm>>)
      tpu.yield
    }) : () -> ()
    return
  }
}

#map = affine_map<(d0, d1) -> (0, 0)>
#map1 = affine_map<(d0, d1) -> (0, 0, 0)>
module attributes {stable_mosaic.version = 14 : i64} {
  func.func @_scatter_kernel(%arg0: i32, %arg1: i32, %arg2: memref<10000x128xf32, #tpu.memory_space<hbm>>, %arg3: memref<16x20176xi32, #tpu.memory_space<hbm>>, %arg4: memref<16x20176xi32, #tpu.memory_space<hbm>>, %arg5: memref<2x5120x128xf32, #tpu.memory_space<hbm>>, %arg6: memref<20176xi32, #tpu.memory_space<vmem>>, %arg7: memref<20176xi32, #tpu.memory_space<vmem>>, %arg8: memref<112x128xf32, #tpu.memory_space<vmem>>, %arg9: memref<112x128xf32, #tpu.memory_space<vmem>>, %arg10: memref<5120x128xf32, #tpu.memory_space<vmem_shared>>, %arg11: memref<!tpu.dma_semaphore, #tpu.memory_space<semaphore_mem>>, %arg12: memref<!tpu.dma_semaphore, #tpu.memory_space<semaphore_mem>>) attributes {dimension_semantics = [#tpu.dimension_semantics<core_parallel>, #tpu.dimension_semantics<subcore_parallel>], iteration_bounds = array<i64: 2, 16>, scalar_prefetch = 0 : i64, scratch_operands = 7 : i64, tpu.core_type = #tpu.core_type<sc_vector_subcore>, window_params = [{transform_indices = #map}, {transform_indices = #map}, {transform_indices = #map}, {transform_indices = #map1}]} {
    "tpu.region"() ({
      %run_scoped3A = tpu.sem_alloc : memref<!tpu.dma_semaphore, #tpu.memory_space<semaphore_mem>>
      %dma_start3A = arith.constant 0 : i32
      %dma_start3A_158 = tpu.memref_slice %arg3[%arg1, %dma_start3A] : memref<16x20176xi32, #tpu.memory_space<hbm>> -> memref<1x20176xi32, #tpu.memory_space<hbm>>
      %dma_start3A_159 = tpu.memref_squeeze %dma_start3A_158 : memref<1x20176xi32, #tpu.memory_space<hbm>> -> memref<20176xi32, #tpu.memory_space<hbm>>
      %dma_start3A_160 = arith.constant 0 : i32
      %dma_start3A_161 = tpu.memref_slice %arg3[%arg1, %dma_start3A_160] : memref<16x20176xi32, #tpu.memory_space<hbm>> -> memref<1x20176xi32, #tpu.memory_space<hbm>>
      %dma_start3A_162 = tpu.memref_squeeze %dma_start3A_161 : memref<1x20176xi32, #tpu.memory_space<hbm>> -> memref<20176xi32, #tpu.memory_space<hbm>>
      tpu.enqueue_dma source(%dma_start3A_162 : memref<20176xi32, #tpu.memory_space<hbm>>) target(%arg6 : memref<20176xi32, #tpu.memory_space<vmem>>) target_semaphore(%run_scoped3A : memref<!tpu.dma_semaphore, #tpu.memory_space<semaphore_mem>>)
      %dma_wait3A = arith.constant 0 : i32
      %dma_wait3A_163 = tpu.memref_slice %arg3[%arg1, %dma_wait3A] : memref<16x20176xi32, #tpu.memory_space<hbm>> -> memref<1x20176xi32, #tpu.memory_space<hbm>>
      %dma_wait3A_164 = tpu.memref_squeeze %dma_wait3A_163 : memref<1x20176xi32, #tpu.memory_space<hbm>> -> memref<20176xi32, #tpu.memory_space<hbm>>
      %dma_wait3A_165 = arith.constant 0 : i32
      %dma_wait3A_166 = tpu.memref_slice %arg3[%arg1, %dma_wait3A_165] : memref<16x20176xi32, #tpu.memory_space<hbm>> -> memref<1x20176xi32, #tpu.memory_space<hbm>>
      %dma_wait3A_167 = tpu.memref_squeeze %dma_wait3A_166 : memref<1x20176xi32, #tpu.memory_space<hbm>> -> memref<20176xi32, #tpu.memory_space<hbm>>
      tpu.wait_dma2 semaphore(%run_scoped3A : memref<!tpu.dma_semaphore, #tpu.memory_space<semaphore_mem>>) src(%dma_wait3A_167 : memref<20176xi32, #tpu.memory_space<hbm>>) dst(%arg6 : memref<20176xi32, #tpu.memory_space<vmem>>)
      tpu.yield
    }) : () -> ()
    "tpu.region"() ({
      %run_scoped3A = tpu.sem_alloc : memref<!tpu.dma_semaphore, #tpu.memory_space<semaphore_mem>>
      %dma_start3A = arith.constant 0 : i32
      %dma_start3A_158 = tpu.memref_slice %arg4[%arg1, %dma_start3A] : memref<16x20176xi32, #tpu.memory_space<hbm>> -> memref<1x20176xi32, #tpu.memory_space<hbm>>
      %dma_start3A_159 = tpu.memref_squeeze %dma_start3A_158 : memref<1x20176xi32, #tpu.memory_space<hbm>> -> memref<20176xi32, #tpu.memory_space<hbm>>
      %dma_start3A_160 = arith.constant 0 : i32
      %dma_start3A_161 = tpu.memref_slice %arg4[%arg1, %dma_start3A_160] : memref<16x20176xi32, #tpu.memory_space<hbm>> -> memref<1x20176xi32, #tpu.memory_space<hbm>>
      %dma_start3A_162 = tpu.memref_squeeze %dma_start3A_161 : memref<1x20176xi32, #tpu.memory_space<hbm>> -> memref<20176xi32, #tpu.memory_space<hbm>>
      tpu.enqueue_dma source(%dma_start3A_162 : memref<20176xi32, #tpu.memory_space<hbm>>) target(%arg7 : memref<20176xi32, #tpu.memory_space<vmem>>) target_semaphore(%run_scoped3A : memref<!tpu.dma_semaphore, #tpu.memory_space<semaphore_mem>>)
      %dma_wait3A = arith.constant 0 : i32
      %dma_wait3A_163 = tpu.memref_slice %arg4[%arg1, %dma_wait3A] : memref<16x20176xi32, #tpu.memory_space<hbm>> -> memref<1x20176xi32, #tpu.memory_space<hbm>>
      %dma_wait3A_164 = tpu.memref_squeeze %dma_wait3A_163 : memref<1x20176xi32, #tpu.memory_space<hbm>> -> memref<20176xi32, #tpu.memory_space<hbm>>
      %dma_wait3A_165 = arith.constant 0 : i32
      %dma_wait3A_166 = tpu.memref_slice %arg4[%arg1, %dma_wait3A_165] : memref<16x20176xi32, #tpu.memory_space<hbm>> -> memref<1x20176xi32, #tpu.memory_space<hbm>>
      %dma_wait3A_167 = tpu.memref_squeeze %dma_wait3A_166 : memref<1x20176xi32, #tpu.memory_space<hbm>> -> memref<20176xi32, #tpu.memory_space<hbm>>
      tpu.wait_dma2 semaphore(%run_scoped3A : memref<!tpu.dma_semaphore, #tpu.memory_space<semaphore_mem>>) src(%dma_wait3A_167 : memref<20176xi32, #tpu.memory_space<hbm>>) dst(%arg7 : memref<20176xi32, #tpu.memory_space<vmem>>)
      tpu.yield
    }) : () -> ()
    %mul3A = arith.constant 5000 : i32
    %mul3A_0 = arith.muli %arg0, %mul3A : i32
    %scan3A = arith.constant 0 : i32
    %scan3A_1 = arith.constant 0 : i32
    %scan3A_2 = arith.constant 1261 : i32
    %scan3A_3 = arith.addi %scan3A_1, %scan3A_2 : i32
    %scan3A_4 = arith.constant 1 : i32
    %scan3A_5 = scf.for %scan3A_158 = %scan3A_1 to %scan3A_3 step %scan3A_4 iter_args(%scan3A_159 = %scan3A) -> (i32)  : i32 {
      %mul3A_160 = arith.constant 16 : i32
      %mul3A_161 = arith.muli %scan3A_158, %mul3A_160 : i32
      %get3A = arith.index_cast %mul3A_161 : i32 to index
      %get3A_162 = tpu.vector_load %arg6[%get3A] {strides = array<i32>} : memref<20176xi32, #tpu.memory_space<vmem>>, vector<16xi32>,
      %mul3A_163 = arith.constant 16 : i32
      %mul3A_164 = arith.muli %scan3A_158, %mul3A_163 : i32
      %get3A_165 = arith.index_cast %mul3A_164 : i32 to index
      %get3A_166 = tpu.vector_load %arg7[%get3A_165] {strides = array<i32>} : memref<20176xi32, #tpu.memory_space<vmem>>, vector<16xi32>,
      %sub3A_167 = vector.broadcast %mul3A_0 : i32 to vector<16xi32>
      %sub3A_168 = arith.subi %get3A_166, %sub3A_167 : vector<16xi32>
      %ge3A = arith.constant 0 : i32
      %ge3A_169 = vector.broadcast %ge3A : i32 to vector<16xi32>
      %ge3A_170 = arith.cmpi sge, %sub3A_168, %ge3A_169 : vector<16xi32>
      %lt3A = arith.constant 5000 : i32
      %lt3A_171 = vector.broadcast %lt3A : i32 to vector<16xi32>
      %lt3A_172 = arith.cmpi slt, %sub3A_168, %lt3A_171 : vector<16xi32>
      %and3A_173 = arith.andi %ge3A_170, %lt3A_172 : vector<16xi1>
      %swap3A = arith.index_cast %scan3A_159 : i32 to index
      %swap3A_174 = tpu.vector_load %arg6[%swap3A] masked %and3A_173 {strides = array<i32>} : memref<20176xi32, #tpu.memory_space<vmem>>, vector<16xi32>, vector<16xi1>
      tpu.vector_store %arg6[%swap3A], %get3A_162 masked %and3A_173 {strides = array<i32>} : memref<20176xi32, #tpu.memory_space<vmem>>, vector<16xi32>, vector<16xi1>
      %swap3A_175 = arith.index_cast %scan3A_159 : i32 to index
      %swap3A_176 = tpu.vector_load %arg7[%swap3A_175] masked %and3A_173 {strides = array<i32>} : memref<20176xi32, #tpu.memory_space<vmem>>, vector<16xi32>, vector<16xi1>
      tpu.vector_store %arg7[%swap3A_175], %sub3A_168 masked %and3A_173 {strides = array<i32>} : memref<20176xi32, #tpu.memory_space<vmem>>, vector<16xi32>, vector<16xi1>
      %all_reduce_population_count3A = tpu.all_reduce %and3A_173 {dim = 0 : i64, kind = #tpu.reduction_kind<sum>} : vector<16xi1> -> vector<16xi32>
      %reduce_max3A = arith.constant true
      %reduce_max3A_177 = vector.broadcast %reduce_max3A : i1 to vector<16xi1>
      %reduce_max3A_178 = arith.constant -2147483648 : i32
      %reduce_max3A_179 = vector.broadcast %reduce_max3A_178 : i32 to vector<16xi32>
      %reduce_max3A_180 = arith.xori %all_reduce_population_count3A, %reduce_max3A_179 : vector<16xi32>
      %reduce_max3A_181 = tpu.scan <max>, %reduce_max3A_180 masked %reduce_max3A_177 : vector<16xi32>, vector<16xi1> -> vector<16xi32>
      %reduce_max3A_182 = arith.xori %reduce_max3A_181, %reduce_max3A_179 : vector<16xi32>
      %reduce_max3A_183 = vector.extract %reduce_max3A_182[15] : i32 from vector<16xi32>
      %add3A_184 = arith.addi %scan3A_159, %reduce_max3A_183 : i32
      scf.yield %add3A_184 : i32
    }
    %scan3A_6 = arith.constant 1261 : i32
    %add3A = arith.constant 112 : i32
    %add3A_7 = arith.addi %scan3A_5, %add3A : i32
    %sub3A = arith.constant 1 : i32
    %sub3A_8 = arith.subi %add3A_7, %sub3A : i32
    %jit3A = arith.constant 112 : i32
    %div3A = arith.divsi %sub3A_8, %jit3A : i32
    %sign3A = arith.constant 0 : i32
    %sign3A_9 = arith.cmpi sgt, %sub3A_8, %sign3A : i32
    %sign3A_10 = arith.extui %sign3A_9 : i1 to i32
    %sign3A_11 = arith.constant 0 : i32
    %sign3A_12 = arith.cmpi slt, %sub3A_8, %sign3A_11 : i32
    %sign3A_13 = arith.extui %sign3A_12 : i1 to i32
    %sign3A_14 = arith.subi %sign3A_10, %sign3A_13 : i32
    %sign3A_15 = arith.constant 0 : i32
    %sign3A_16 = arith.cmpi sgt, %jit3A, %sign3A_15 : i32
    %sign3A_17 = arith.extui %sign3A_16 : i1 to i32
    %sign3A_18 = arith.constant 0 : i32
    %sign3A_19 = arith.cmpi slt, %jit3A, %sign3A_18 : i32
    %sign3A_20 = arith.extui %sign3A_19 : i1 to i32
    %sign3A_21 = arith.subi %sign3A_17, %sign3A_20 : i32
    %ne3A = arith.cmpi ne, %sign3A_14, %sign3A_21 : i32
    %rem3A = arith.remsi %sub3A_8, %jit3A : i32
    %ne3A_22 = arith.constant 0 : i32
    %ne3A_23 = arith.cmpi ne, %rem3A, %ne3A_22 : i32
    %and3A = arith.andi %ne3A, %ne3A_23 : i1
    %sub3A_24 = arith.constant 1 : i32
    %sub3A_25 = arith.subi %div3A, %sub3A_24 : i32
    %select_n3A = arith.select %and3A, %sub3A_25, %div3A : i32
    %add3A_26 = arith.constant 2 : i32
    %add3A_27 = arith.addi %select_n3A, %add3A_26 : i32
    %sub3A_28 = arith.constant 1 : i32
    %sub3A_29 = arith.subi %add3A_27, %sub3A_28 : i32
    %jit3A_30 = arith.constant 2 : i32
    %div3A_31 = arith.divsi %sub3A_29, %jit3A_30 : i32
    %sign3A_32 = arith.constant 0 : i32
    %sign3A_33 = arith.cmpi sgt, %sub3A_29, %sign3A_32 : i32
    %sign3A_34 = arith.extui %sign3A_33 : i1 to i32
    %sign3A_35 = arith.constant 0 : i32
    %sign3A_36 = arith.cmpi slt, %sub3A_29, %sign3A_35 : i32
    %sign3A_37 = arith.extui %sign3A_36 : i1 to i32
    %sign3A_38 = arith.subi %sign3A_34, %sign3A_37 : i32
    %sign3A_39 = arith.constant 0 : i32
    %sign3A_40 = arith.cmpi sgt, %jit3A_30, %sign3A_39 : i32
    %sign3A_41 = arith.extui %sign3A_40 : i1 to i32
    %sign3A_42 = arith.constant 0 : i32
    %sign3A_43 = arith.cmpi slt, %jit3A_30, %sign3A_42 : i32
    %sign3A_44 = arith.extui %sign3A_43 : i1 to i32
    %sign3A_45 = arith.subi %sign3A_41, %sign3A_44 : i32
    %ne3A_46 = arith.cmpi ne, %sign3A_38, %sign3A_45 : i32
    %rem3A_47 = arith.remsi %sub3A_29, %jit3A_30 : i32
    %ne3A_48 = arith.constant 0 : i32
    %ne3A_49 = arith.cmpi ne, %rem3A_47, %ne3A_48 : i32
    %and3A_50 = arith.andi %ne3A_46, %ne3A_49 : i1
    %sub3A_51 = arith.constant 1 : i32
    %sub3A_52 = arith.subi %div3A_31, %sub3A_51 : i32
    %select_n3A_53 = arith.select %and3A_50, %sub3A_52, %div3A_31 : i32
    %mul3A_54 = arith.constant 2 : i32
    %mul3A_55 = arith.muli %select_n3A_53, %mul3A_54 : i32
    %broadcast_in_dim3A = arith.constant 0 : i32
    %broadcast_in_dim3A_56 = vector.broadcast %broadcast_in_dim3A : i32 to vector<16xi32>
    %broadcast_in_dim3A_57 = arith.constant 5000 : i32
    %broadcast_in_dim3A_58 = vector.broadcast %broadcast_in_dim3A_57 : i32 to vector<16xi32>
    %mul3A_59 = arith.constant 112 : i32
    %mul3A_60 = arith.muli %mul3A_55, %mul3A_59 : i32
    %sub3A_61 = arith.subi %mul3A_60, %scan3A_5 : i32
    %add3A_62 = arith.constant 15 : i32
    %add3A_63 = arith.addi %sub3A_61, %add3A_62 : i32
    %jit3A_64 = arith.constant 16 : i32
    %div3A_65 = arith.divsi %add3A_63, %jit3A_64 : i32
    %sign3A_66 = arith.constant 0 : i32
    %sign3A_67 = arith.cmpi sgt, %add3A_63, %sign3A_66 : i32
    %sign3A_68 = arith.extui %sign3A_67 : i1 to i32
    %sign3A_69 = arith.constant 0 : i32
    %sign3A_70 = arith.cmpi slt, %add3A_63, %sign3A_69 : i32
    %sign3A_71 = arith.extui %sign3A_70 : i1 to i32
    %sign3A_72 = arith.subi %sign3A_68, %sign3A_71 : i32
    %sign3A_73 = arith.constant 0 : i32
    %sign3A_74 = arith.cmpi sgt, %jit3A_64, %sign3A_73 : i32
    %sign3A_75 = arith.extui %sign3A_74 : i1 to i32
    %sign3A_76 = arith.constant 0 : i32
    %sign3A_77 = arith.cmpi slt, %jit3A_64, %sign3A_76 : i32
    %sign3A_78 = arith.extui %sign3A_77 : i1 to i32
    %sign3A_79 = arith.subi %sign3A_75, %sign3A_78 : i32
    %ne3A_80 = arith.cmpi ne, %sign3A_72, %sign3A_79 : i32
    %rem3A_81 = arith.remsi %add3A_63, %jit3A_64 : i32
    %ne3A_82 = arith.constant 0 : i32
    %ne3A_83 = arith.cmpi ne, %rem3A_81, %ne3A_82 : i32
    %and3A_84 = arith.andi %ne3A_80, %ne3A_83 : i1
    %sub3A_85 = arith.constant 1 : i32
    %sub3A_86 = arith.subi %div3A_65, %sub3A_85 : i32
    %select_n3A_87 = arith.select %and3A_84, %sub3A_86, %div3A_65 : i32
    %while3A = arith.constant 0 : i32
    %while3A_88 = arith.constant 0 : i32
    %while3A_89 = arith.subi %select_n3A_87, %while3A : i32
    %while3A_90 = arith.addi %while3A, %while3A_89 : i32
    %while3A_91 = arith.constant 1 : i32
    %while3A_92 = arith.divsi %while3A_89, %while3A_91 : i32
    %while3A_93 = arith.muli %while3A_92, %while3A_91 : i32
    %while3A_94 = arith.addi %while3A, %while3A_93 : i32
    %while3A_95 = arith.constant 1 : i32
    %while3A_96 = scf.for %while3A_158 = %while3A to %while3A_94 step %while3A_95 iter_args(%while3A_159 = %while3A_88) -> (i32)  : i32 {
      %mul3A_160 = arith.constant 16 : i32
      %mul3A_161 = arith.muli %while3A_158, %mul3A_160 : i32
      %add3A_162 = arith.addi %scan3A_5, %mul3A_161 : i32
      %swap3A = arith.index_cast %add3A_162 : i32 to index
      %swap3A_163 = tpu.vector_load %arg6[%swap3A] {strides = array<i32>} : memref<20176xi32, #tpu.memory_space<vmem>>, vector<16xi32>,
      tpu.vector_store %arg6[%swap3A], %broadcast_in_dim3A_56 {strides = array<i32>} : memref<20176xi32, #tpu.memory_space<vmem>>, vector<16xi32>,
      %swap3A_164 = arith.index_cast %add3A_162 : i32 to index
      %swap3A_165 = tpu.vector_load %arg7[%swap3A_164] {strides = array<i32>} : memref<20176xi32, #tpu.memory_space<vmem>>, vector<16xi32>,
      tpu.vector_store %arg7[%swap3A_164], %broadcast_in_dim3A_58 {strides = array<i32>} : memref<20176xi32, #tpu.memory_space<vmem>>, vector<16xi32>,
      %while3A_166 = arith.constant 0 : i32
      scf.yield %while3A_166 : i32
    }
    %while3A_97 = arith.constant 1 : i32
    %while3A_98 = scf.for %while3A_158 = %while3A_94 to %while3A_90 step %while3A_97 iter_args(%while3A_159 = %while3A_96) -> (i32)  : i32 {
      %mul3A_160 = arith.constant 16 : i32
      %mul3A_161 = arith.muli %while3A_158, %mul3A_160 : i32
      %add3A_162 = arith.addi %scan3A_5, %mul3A_161 : i32
      %swap3A = arith.index_cast %add3A_162 : i32 to index
      %swap3A_163 = tpu.vector_load %arg6[%swap3A] {strides = array<i32>} : memref<20176xi32, #tpu.memory_space<vmem>>, vector<16xi32>,
      tpu.vector_store %arg6[%swap3A], %broadcast_in_dim3A_56 {strides = array<i32>} : memref<20176xi32, #tpu.memory_space<vmem>>, vector<16xi32>,
      %swap3A_164 = arith.index_cast %add3A_162 : i32 to index
      %swap3A_165 = tpu.vector_load %arg7[%swap3A_164] {strides = array<i32>} : memref<20176xi32, #tpu.memory_space<vmem>>, vector<16xi32>,
      tpu.vector_store %arg7[%swap3A_164], %broadcast_in_dim3A_58 {strides = array<i32>} : memref<20176xi32, #tpu.memory_space<vmem>>, vector<16xi32>,
      %while3A_166 = arith.constant 0 : i32
      scf.yield %while3A_166 : i32
    }
    %broadcast_in_dim3A_99 = arith.constant 0.000000e+00 : f32
    %broadcast_in_dim3A_100 = vector.broadcast %broadcast_in_dim3A_99 : f32 to vector<16xf32>
    %scan3A_101 = arith.constant 0 : i32
    %scan3A_102 = arith.constant 0 : i32
    %scan3A_103 = arith.constant 112 : i32
    %scan3A_104 = arith.addi %scan3A_102, %scan3A_103 : i32
    %scan3A_105 = arith.constant 1 : i32
    %scan3A_106 = scf.for %scan3A_158 = %scan3A_102 to %scan3A_104 step %scan3A_105 iter_args(%scan3A_159 = %scan3A_101) -> (i32)  : i32 {
      %swap3A = arith.index_cast %scan3A_158 : i32 to index
      %swap3A_160 = arith.constant 0 : index
      %swap3A_161 = tpu.vector_load %arg8[%swap3A, %swap3A_160] {strides = array<i32>} : memref<112x128xf32, #tpu.memory_space<vmem>>, vector<16xf32>,
      tpu.vector_store %arg8[%swap3A, %swap3A_160], %broadcast_in_dim3A_100 {strides = array<i32>} : memref<112x128xf32, #tpu.memory_space<vmem>>, vector<16xf32>,
      %swap3A_162 = arith.index_cast %scan3A_158 : i32 to index
      %swap3A_163 = arith.constant 16 : index
      %swap3A_164 = tpu.vector_load %arg8[%swap3A_162, %swap3A_163] {strides = array<i32>} : memref<112x128xf32, #tpu.memory_space<vmem>>, vector<16xf32>,
      tpu.vector_store %arg8[%swap3A_162, %swap3A_163], %broadcast_in_dim3A_100 {strides = array<i32>} : memref<112x128xf32, #tpu.memory_space<vmem>>, vector<16xf32>,
      %swap3A_165 = arith.index_cast %scan3A_158 : i32 to index
      %swap3A_166 = arith.constant 32 : index
      %swap3A_167 = tpu.vector_load %arg8[%swap3A_165, %swap3A_166] {strides = array<i32>} : memref<112x128xf32, #tpu.memory_space<vmem>>, vector<16xf32>,
      tpu.vector_store %arg8[%swap3A_165, %swap3A_166], %broadcast_in_dim3A_100 {strides = array<i32>} : memref<112x128xf32, #tpu.memory_space<vmem>>, vector<16xf32>,
      %swap3A_168 = arith.index_cast %scan3A_158 : i32 to index
      %swap3A_169 = arith.constant 48 : index
      %swap3A_170 = tpu.vector_load %arg8[%swap3A_168, %swap3A_169] {strides = array<i32>} : memref<112x128xf32, #tpu.memory_space<vmem>>, vector<16xf32>,
      tpu.vector_store %arg8[%swap3A_168, %swap3A_169], %broadcast_in_dim3A_100 {strides = array<i32>} : memref<112x128xf32, #tpu.memory_space<vmem>>, vector<16xf32>,
      %swap3A_171 = arith.index_cast %scan3A_158 : i32 to index
      %swap3A_172 = arith.constant 64 : index
      %swap3A_173 = tpu.vector_load %arg8[%swap3A_171, %swap3A_172] {strides = array<i32>} : memref<112x128xf32, #tpu.memory_space<vmem>>, vector<16xf32>,
      tpu.vector_store %arg8[%swap3A_171, %swap3A_172], %broadcast_in_dim3A_100 {strides = array<i32>} : memref<112x128xf32, #tpu.memory_space<vmem>>, vector<16xf32>,
      %swap3A_174 = arith.index_cast %scan3A_158 : i32 to index
      %swap3A_175 = arith.constant 80 : index
      %swap3A_176 = tpu.vector_load %arg8[%swap3A_174, %swap3A_175] {strides = array<i32>} : memref<112x128xf32, #tpu.memory_space<vmem>>, vector<16xf32>,
      tpu.vector_store %arg8[%swap3A_174, %swap3A_175], %broadcast_in_dim3A_100 {strides = array<i32>} : memref<112x128xf32, #tpu.memory_space<vmem>>, vector<16xf32>,
      %swap3A_177 = arith.index_cast %scan3A_158 : i32 to index
      %swap3A_178 = arith.constant 96 : index
      %swap3A_179 = tpu.vector_load %arg8[%swap3A_177, %swap3A_178] {strides = array<i32>} : memref<112x128xf32, #tpu.memory_space<vmem>>, vector<16xf32>,
      tpu.vector_store %arg8[%swap3A_177, %swap3A_178], %broadcast_in_dim3A_100 {strides = array<i32>} : memref<112x128xf32, #tpu.memory_space<vmem>>, vector<16xf32>,
      %swap3A_180 = arith.index_cast %scan3A_158 : i32 to index
      %swap3A_181 = arith.constant 112 : index
      %swap3A_182 = tpu.vector_load %arg8[%swap3A_180, %swap3A_181] {strides = array<i32>} : memref<112x128xf32, #tpu.memory_space<vmem>>, vector<16xf32>,
      tpu.vector_store %arg8[%swap3A_180, %swap3A_181], %broadcast_in_dim3A_100 {strides = array<i32>} : memref<112x128xf32, #tpu.memory_space<vmem>>, vector<16xf32>,
      %scan3A_183 = arith.constant 0 : i32
      scf.yield %scan3A_183 : i32
    }
    %scan3A_107 = arith.constant 112 : i32
    %mul3A_108 = arith.constant 320 : i32
    %mul3A_109 = arith.muli %arg1, %mul3A_108 : i32
    %add3A_110 = arith.constant 0 : i32
    %add3A_111 = arith.addi %mul3A_109, %add3A_110 : i32
    "tpu.region"() ({
      %run_scoped3A = tpu.sem_alloc : memref<!tpu.dma_semaphore, #tpu.memory_space<semaphore_mem>>
      %dma_start3A = arith.constant 0 : i32
      %dma_start3A_158 = tpu.memref_slice %arg10[%add3A_111, %dma_start3A] : memref<5120x128xf32, #tpu.memory_space<vmem_shared>> -> memref<112x128xf32, #tpu.memory_space<vmem_shared>>
      %dma_start3A_159 = arith.constant 0 : i32
      %dma_start3A_160 = tpu.memref_slice %arg10[%add3A_111, %dma_start3A_159] : memref<5120x128xf32, #tpu.memory_space<vmem_shared>> -> memref<112x128xf32, #tpu.memory_space<vmem_shared>>
      tpu.enqueue_dma source(%arg8 : memref<112x128xf32, #tpu.memory_space<vmem>>) target(%dma_start3A_160 : memref<112x128xf32, #tpu.memory_space<vmem_shared>>) target_semaphore(%run_scoped3A : memref<!tpu.dma_semaphore, #tpu.memory_space<semaphore_mem>>)
      %dma_wait3A = arith.constant 0 : i32
      %dma_wait3A_161 = tpu.memref_slice %arg10[%add3A_111, %dma_wait3A] : memref<5120x128xf32, #tpu.memory_space<vmem_shared>> -> memref<112x128xf32, #tpu.memory_space<vmem_shared>>
      %dma_wait3A_162 = arith.constant 0 : i32
      %dma_wait3A_163 = tpu.memref_slice %arg10[%add3A_111, %dma_wait3A_162] : memref<5120x128xf32, #tpu.memory_space<vmem_shared>> -> memref<112x128xf32, #tpu.memory_space<vmem_shared>>
      tpu.wait_dma2 semaphore(%run_scoped3A : memref<!tpu.dma_semaphore, #tpu.memory_space<semaphore_mem>>) src(%arg8 : memref<112x128xf32, #tpu.memory_space<vmem>>) dst(%dma_wait3A_163 : memref<112x128xf32, #tpu.memory_space<vmem_shared>>)
      tpu.yield
    }) : () -> ()
    %add3A_112 = arith.constant 112 : i32
    %add3A_113 = arith.addi %mul3A_109, %add3A_112 : i32
    "tpu.region"() ({
      %run_scoped3A = tpu.sem_alloc : memref<!tpu.dma_semaphore, #tpu.memory_space<semaphore_mem>>
      %dma_start3A = arith.constant 0 : i32
      %dma_start3A_158 = tpu.memref_slice %arg10[%add3A_113, %dma_start3A] : memref<5120x128xf32, #tpu.memory_space<vmem_shared>> -> memref<112x128xf32, #tpu.memory_space<vmem_shared>>
      %dma_start3A_159 = arith.constant 0 : i32
      %dma_start3A_160 = tpu.memref_slice %arg10[%add3A_113, %dma_start3A_159] : memref<5120x128xf32, #tpu.memory_space<vmem_shared>> -> memref<112x128xf32, #tpu.memory_space<vmem_shared>>
      tpu.enqueue_dma source(%arg8 : memref<112x128xf32, #tpu.memory_space<vmem>>) target(%dma_start3A_160 : memref<112x128xf32, #tpu.memory_space<vmem_shared>>) target_semaphore(%run_scoped3A : memref<!tpu.dma_semaphore, #tpu.memory_space<semaphore_mem>>)
      %dma_wait3A = arith.constant 0 : i32
      %dma_wait3A_161 = tpu.memref_slice %arg10[%add3A_113, %dma_wait3A] : memref<5120x128xf32, #tpu.memory_space<vmem_shared>> -> memref<112x128xf32, #tpu.memory_space<vmem_shared>>
      %dma_wait3A_162 = arith.constant 0 : i32
      %dma_wait3A_163 = tpu.memref_slice %arg10[%add3A_113, %dma_wait3A_162] : memref<5120x128xf32, #tpu.memory_space<vmem_shared>> -> memref<112x128xf32, #tpu.memory_space<vmem_shared>>
      tpu.wait_dma2 semaphore(%run_scoped3A : memref<!tpu.dma_semaphore, #tpu.memory_space<semaphore_mem>>) src(%arg8 : memref<112x128xf32, #tpu.memory_space<vmem>>) dst(%dma_wait3A_163 : memref<112x128xf32, #tpu.memory_space<vmem_shared>>)
      tpu.yield
    }) : () -> ()
    %barrier3A = arith.constant 0 : index
    tpu.barrier barrier_id(%barrier3A)
    %gt3A = arith.constant 0 : i32
    %gt3A_114 = arith.cmpi sgt, %mul3A_55, %gt3A : i32
    %convert_element_type3A = arith.extui %gt3A_114 : i1 to i32
    %cond3A = arith.constant 0 : i32
    %cond3A_115 = arith.cmpi ne, %convert_element_type3A, %cond3A : i32
    scf.if %cond3A_115 {
      %dma_start3A = arith.constant 0 : i32
      %dma_start3A_158 = tpu.memref_slice %arg6[%dma_start3A] : memref<20176xi32, #tpu.memory_space<vmem>> -> memref<112xi32, #tpu.memory_space<vmem>>
      %dma_start3A_159 = arith.constant 0 : i32
      %dma_start3A_160 = arith.constant 0 : i32
      %dma_start3A_161 = tpu.memref_slice %arg2[%dma_start3A_159, %dma_start3A_160] : memref<10000x128xf32, #tpu.memory_space<hbm>> -> memref<10000x128xf32, #tpu.memory_space<hbm>>
      tpu.enqueue_indirect_dma source(%dma_start3A_161 : memref<10000x128xf32, #tpu.memory_space<hbm>>) target(%arg8 : memref<112x128xf32, #tpu.memory_space<vmem>>) offsets(%dma_start3A_158 : memref<112xi32, #tpu.memory_space<vmem>>) semaphore(%arg11 : memref<!tpu.dma_semaphore, #tpu.memory_space<semaphore_mem>>)
    } else {
    }
    %gt3A_116 = arith.constant 1 : i32
    %gt3A_117 = arith.cmpi sgt, %mul3A_55, %gt3A_116 : i32
    %convert_element_type3A_118 = arith.extui %gt3A_117 : i1 to i32
    %cond3A_119 = arith.constant 0 : i32
    %cond3A_120 = arith.cmpi ne, %convert_element_type3A_118, %cond3A_119 : i32
    scf.if %cond3A_120 {
      %dma_start3A = arith.constant 112 : i32
      %dma_start3A_158 = tpu.memref_slice %arg6[%dma_start3A] : memref<20176xi32, #tpu.memory_space<vmem>> -> memref<112xi32, #tpu.memory_space<vmem>>
      %dma_start3A_159 = arith.constant 0 : i32
      %dma_start3A_160 = arith.constant 0 : i32
      %dma_start3A_161 = tpu.memref_slice %arg2[%dma_start3A_159, %dma_start3A_160] : memref<10000x128xf32, #tpu.memory_space<hbm>> -> memref<10000x128xf32, #tpu.memory_space<hbm>>
      tpu.enqueue_indirect_dma source(%dma_start3A_161 : memref<10000x128xf32, #tpu.memory_space<hbm>>) target(%arg9 : memref<112x128xf32, #tpu.memory_space<vmem>>) offsets(%dma_start3A_158 : memref<112xi32, #tpu.memory_space<vmem>>) semaphore(%arg12 : memref<!tpu.dma_semaphore, #tpu.memory_space<semaphore_mem>>)
    } else {
    }
    %jit3A_121 = arith.constant 2 : i32
    %div3A_122 = arith.divsi %mul3A_55, %jit3A_121 : i32
    %sign3A_123 = arith.constant 0 : i32
    %sign3A_124 = arith.cmpi sgt, %mul3A_55, %sign3A_123 : i32
    %sign3A_125 = arith.extui %sign3A_124 : i1 to i32
    %sign3A_126 = arith.constant 0 : i32
    %sign3A_127 = arith.cmpi slt, %mul3A_55, %sign3A_126 : i32
    %sign3A_128 = arith.extui %sign3A_127 : i1 to i32
    %sign3A_129 = arith.subi %sign3A_125, %sign3A_128 : i32
    %sign3A_130 = arith.constant 0 : i32
    %sign3A_131 = arith.cmpi sgt, %jit3A_121, %sign3A_130 : i32
    %sign3A_132 = arith.extui %sign3A_131 : i1 to i32
    %sign3A_133 = arith.constant 0 : i32
    %sign3A_134 = arith.cmpi slt, %jit3A_121, %sign3A_133 : i32
    %sign3A_135 = arith.extui %sign3A_134 : i1 to i32
    %sign3A_136 = arith.subi %sign3A_132, %sign3A_135 : i32
    %ne3A_137 = arith.cmpi ne, %sign3A_129, %sign3A_136 : i32
    %rem3A_138 = arith.remsi %mul3A_55, %jit3A_121 : i32
    %ne3A_139 = arith.constant 0 : i32
    %ne3A_140 = arith.cmpi ne, %rem3A_138, %ne3A_139 : i32
    %and3A_141 = arith.andi %ne3A_137, %ne3A_140 : i1
    %sub3A_142 = arith.constant 1 : i32
    %sub3A_143 = arith.subi %div3A_122, %sub3A_142 : i32
    %select_n3A_144 = arith.select %and3A_141, %sub3A_143, %div3A_122 : i32
    %while3A_145 = arith.constant 0 : i32
    %while3A_146 = arith.constant 0 : i32
    %while3A_147 = arith.subi %select_n3A_144, %while3A_145 : i32
    %while3A_148 = arith.addi %while3A_145, %while3A_147 : i32
    %while3A_149 = arith.constant 1 : i32
    %while3A_150 = arith.divsi %while3A_147, %while3A_149 : i32
    %while3A_151 = arith.muli %while3A_150, %while3A_149 : i32
    %while3A_152 = arith.addi %while3A_145, %while3A_151 : i32
    %while3A_153 = arith.constant 1 : i32
    %while3A_154 = scf.for %while3A_158 = %while3A_145 to %while3A_152 step %while3A_153 iter_args(%while3A_159 = %while3A_146) -> (i32)  : i32 {
      %mul3A_160 = arith.constant 2 : i32
      %mul3A_161 = arith.muli %while3A_158, %mul3A_160 : i32
      %add3A_162 = arith.constant 0 : i32
      %add3A_163 = arith.addi %mul3A_161, %add3A_162 : i32
      %mul3A_164 = arith.constant 112 : i32
      %mul3A_165 = arith.muli %add3A_163, %mul3A_164 : i32
      %dma_wait3A = tpu.memref_slice %arg6[%mul3A_165] : memref<20176xi32, #tpu.memory_space<vmem>> -> memref<112xi32, #tpu.memory_space<vmem>>
      %dma_wait3A_166 = arith.constant 0 : i32
      %dma_wait3A_167 = arith.constant 0 : i32
      %dma_wait3A_168 = tpu.memref_slice %arg2[%dma_wait3A_166, %dma_wait3A_167] : memref<10000x128xf32, #tpu.memory_space<hbm>> -> memref<10000x128xf32, #tpu.memory_space<hbm>>
      tpu.wait_indirect_dma semaphore(%arg11 : memref<!tpu.dma_semaphore, #tpu.memory_space<semaphore_mem>>) src(%dma_wait3A_168 : memref<10000x128xf32, #tpu.memory_space<hbm>>) dst(%arg8 : memref<112x128xf32, #tpu.memory_space<vmem>>)
      %mul3A_169 = arith.constant 112 : i32
      %mul3A_170 = arith.muli %add3A_163, %mul3A_169 : i32
      "tpu.region"() ({
        %run_scoped3A = tpu.sem_alloc : memref<!tpu.dma_semaphore, #tpu.memory_space<semaphore_mem>>
        %dma_start3A = tpu.memref_slice %arg7[%mul3A_170] : memref<20176xi32, #tpu.memory_space<vmem>> -> memref<112xi32, #tpu.memory_space<vmem>>
        %dma_start3A_193 = arith.constant 0 : i32
        %dma_start3A_194 = arith.constant 0 : i32
        %dma_start3A_195 = tpu.memref_slice %arg10[%dma_start3A_193, %dma_start3A_194] : memref<5120x128xf32, #tpu.memory_space<vmem_shared>> -> memref<5120x128xf32, #tpu.memory_space<vmem_shared>>
        tpu.enqueue_indirect_dma source(%arg8 : memref<112x128xf32, #tpu.memory_space<vmem>>) target(%dma_start3A_195 : memref<5120x128xf32, #tpu.memory_space<vmem_shared>>) offsets(%dma_start3A : memref<112xi32, #tpu.memory_space<vmem>>) semaphore(%run_scoped3A : memref<!tpu.dma_semaphore, #tpu.memory_space<semaphore_mem>>) {add = true}
        %dma_wait3A_196 = tpu.memref_slice %arg7[%mul3A_170] : memref<20176xi32, #tpu.memory_space<vmem>> -> memref<112xi32, #tpu.memory_space<vmem>>
        %dma_wait3A_197 = arith.constant 0 : i32
        %dma_wait3A_198 = arith.constant 0 : i32
        %dma_wait3A_199 = tpu.memref_slice %arg10[%dma_wait3A_197, %dma_wait3A_198] : memref<5120x128xf32, #tpu.memory_space<vmem_shared>> -> memref<5120x128xf32, #tpu.memory_space<vmem_shared>>
        tpu.wait_indirect_dma semaphore(%run_scoped3A : memref<!tpu.dma_semaphore, #tpu.memory_space<semaphore_mem>>) src(%arg8 : memref<112x128xf32, #tpu.memory_space<vmem>>) dst(%dma_wait3A_199 : memref<5120x128xf32, #tpu.memory_space<vmem_shared>>)
        tpu.yield
      }) : () -> ()
      %add3A_171 = arith.constant 2 : i32
      %add3A_172 = arith.addi %add3A_163, %add3A_171 : i32
      %lt3A = arith.cmpi slt, %add3A_172, %mul3A_55 : i32
      %convert_element_type3A_173 = arith.extui %lt3A : i1 to i32
      %cond3A_174 = arith.constant 0 : i32
      %cond3A_175 = arith.cmpi ne, %convert_element_type3A_173, %cond3A_174 : i32
      scf.if %cond3A_175 {
        %add3A_193 = arith.constant 2 : i32
        %add3A_194 = arith.addi %add3A_163, %add3A_193 : i32
        %mul3A_195 = arith.constant 112 : i32
        %mul3A_196 = arith.muli %add3A_194, %mul3A_195 : i32
        %dma_start3A = tpu.memref_slice %arg6[%mul3A_196] : memref<20176xi32, #tpu.memory_space<vmem>> -> memref<112xi32, #tpu.memory_space<vmem>>
        %dma_start3A_197 = arith.constant 0 : i32
        %dma_start3A_198 = arith.constant 0 : i32
        %dma_start3A_199 = tpu.memref_slice %arg2[%dma_start3A_197, %dma_start3A_198] : memref<10000x128xf32, #tpu.memory_space<hbm>> -> memref<10000x128xf32, #tpu.memory_space<hbm>>
        tpu.enqueue_indirect_dma source(%dma_start3A_199 : memref<10000x128xf32, #tpu.memory_space<hbm>>) target(%arg8 : memref<112x128xf32, #tpu.memory_space<vmem>>) offsets(%dma_start3A : memref<112xi32, #tpu.memory_space<vmem>>) semaphore(%arg11 : memref<!tpu.dma_semaphore, #tpu.memory_space<semaphore_mem>>)
      } else {
      }
      %add3A_176 = arith.constant 1 : i32
      %add3A_177 = arith.addi %mul3A_161, %add3A_176 : i32
      %mul3A_178 = arith.constant 112 : i32
      %mul3A_179 = arith.muli %add3A_177, %mul3A_178 : i32
      %dma_wait3A_180 = tpu.memref_slice %arg6[%mul3A_179] : memref<20176xi32, #tpu.memory_space<vmem>> -> memref<112xi32, #tpu.memory_space<vmem>>
      %dma_wait3A_181 = arith.constant 0 : i32
      %dma_wait3A_182 = arith.constant 0 : i32
      %dma_wait3A_183 = tpu.memref_slice %arg2[%dma_wait3A_181, %dma_wait3A_182] : memref<10000x128xf32, #tpu.memory_space<hbm>> -> memref<10000x128xf32, #tpu.memory_space<hbm>>
      tpu.wait_indirect_dma semaphore(%arg12 : memref<!tpu.dma_semaphore, #tpu.memory_space<semaphore_mem>>) src(%dma_wait3A_183 : memref<10000x128xf32, #tpu.memory_space<hbm>>) dst(%arg9 : memref<112x128xf32, #tpu.memory_space<vmem>>)
      %mul3A_184 = arith.constant 112 : i32
      %mul3A_185 = arith.muli %add3A_177, %mul3A_184 : i32
      "tpu.region"() ({
        %run_scoped3A = tpu.sem_alloc : memref<!tpu.dma_semaphore, #tpu.memory_space<semaphore_mem>>
        %dma_start3A = tpu.memref_slice %arg7[%mul3A_185] : memref<20176xi32, #tpu.memory_space<vmem>> -> memref<112xi32, #tpu.memory_space<vmem>>
        %dma_start3A_193 = arith.constant 0 : i32
        %dma_start3A_194 = arith.constant 0 : i32
        %dma_start3A_195 = tpu.memref_slice %arg10[%dma_start3A_193, %dma_start3A_194] : memref<5120x128xf32, #tpu.memory_space<vmem_shared>> -> memref<5120x128xf32, #tpu.memory_space<vmem_shared>>
        tpu.enqueue_indirect_dma source(%arg9 : memref<112x128xf32, #tpu.memory_space<vmem>>) target(%dma_start3A_195 : memref<5120x128xf32, #tpu.memory_space<vmem_shared>>) offsets(%dma_start3A : memref<112xi32, #tpu.memory_space<vmem>>) semaphore(%run_scoped3A : memref<!tpu.dma_semaphore, #tpu.memory_space<semaphore_mem>>) {add = true}
        %dma_wait3A_196 = tpu.memref_slice %arg7[%mul3A_185] : memref<20176xi32, #tpu.memory_space<vmem>> -> memref<112xi32, #tpu.memory_space<vmem>>
        %dma_wait3A_197 = arith.constant 0 : i32
        %dma_wait3A_198 = arith.constant 0 : i32
        %dma_wait3A_199 = tpu.memref_slice %arg10[%dma_wait3A_197, %dma_wait3A_198] : memref<5120x128xf32, #tpu.memory_space<vmem_shared>> -> memref<5120x128xf32, #tpu.memory_space<vmem_shared>>
        tpu.wait_indirect_dma semaphore(%run_scoped3A : memref<!tpu.dma_semaphore, #tpu.memory_space<semaphore_mem>>) src(%arg9 : memref<112x128xf32, #tpu.memory_space<vmem>>) dst(%dma_wait3A_199 : memref<5120x128xf32, #tpu.memory_space<vmem_shared>>)
        tpu.yield
      }) : () -> ()
      %add3A_186 = arith.constant 2 : i32
      %add3A_187 = arith.addi %add3A_177, %add3A_186 : i32
      %lt3A_188 = arith.cmpi slt, %add3A_187, %mul3A_55 : i32
      %convert_element_type3A_189 = arith.extui %lt3A_188 : i1 to i32
      %cond3A_190 = arith.constant 0 : i32
      %cond3A_191 = arith.cmpi ne, %convert_element_type3A_189, %cond3A_190 : i32
      scf.if %cond3A_191 {
        %add3A_193 = arith.constant 2 : i32
        %add3A_194 = arith.addi %add3A_177, %add3A_193 : i32
        %mul3A_195 = arith.constant 112 : i32
        %mul3A_196 = arith.muli %add3A_194, %mul3A_195 : i32
        %dma_start3A = tpu.memref_slice %arg6[%mul3A_196] : memref<20176xi32, #tpu.memory_space<vmem>> -> memref<112xi32, #tpu.memory_space<vmem>>
        %dma_start3A_197 = arith.constant 0 : i32
        %dma_start3A_198 = arith.constant 0 : i32
        %dma_start3A_199 = tpu.memref_slice %arg2[%dma_start3A_197, %dma_start3A_198] : memref<10000x128xf32, #tpu.memory_space<hbm>> -> memref<10000x128xf32, #tpu.memory_space<hbm>>
        tpu.enqueue_indirect_dma source(%dma_start3A_199 : memref<10000x128xf32, #tpu.memory_space<hbm>>) target(%arg9 : memref<112x128xf32, #tpu.memory_space<vmem>>) offsets(%dma_start3A : memref<112xi32, #tpu.memory_space<vmem>>) semaphore(%arg12 : memref<!tpu.dma_semaphore, #tpu.memory_space<semaphore_mem>>)
      } else {
      }
      %while3A_192 = arith.constant 0 : i32
      scf.yield %while3A_192 : i32
    }
    %while3A_155 = arith.constant 1 : i32
    %while3A_156 = scf.for %while3A_158 = %while3A_152 to %while3A_148 step %while3A_155 iter_args(%while3A_159 = %while3A_154) -> (i32)  : i32 {
      %mul3A_160 = arith.constant 2 : i32
      %mul3A_161 = arith.muli %while3A_158, %mul3A_160 : i32
      %add3A_162 = arith.constant 0 : i32
      %add3A_163 = arith.addi %mul3A_161, %add3A_162 : i32
      %mul3A_164 = arith.constant 112 : i32
      %mul3A_165 = arith.muli %add3A_163, %mul3A_164 : i32
      %dma_wait3A = tpu.memref_slice %arg6[%mul3A_165] : memref<20176xi32, #tpu.memory_space<vmem>> -> memref<112xi32, #tpu.memory_space<vmem>>
      %dma_wait3A_166 = arith.constant 0 : i32
      %dma_wait3A_167 = arith.constant 0 : i32
      %dma_wait3A_168 = tpu.memref_slice %arg2[%dma_wait3A_166, %dma_wait3A_167] : memref<10000x128xf32, #tpu.memory_space<hbm>> -> memref<10000x128xf32, #tpu.memory_space<hbm>>
      tpu.wait_indirect_dma semaphore(%arg11 : memref<!tpu.dma_semaphore, #tpu.memory_space<semaphore_mem>>) src(%dma_wait3A_168 : memref<10000x128xf32, #tpu.memory_space<hbm>>) dst(%arg8 : memref<112x128xf32, #tpu.memory_space<vmem>>)
      %mul3A_169 = arith.constant 112 : i32
      %mul3A_170 = arith.muli %add3A_163, %mul3A_169 : i32
      "tpu.region"() ({
        %run_scoped3A = tpu.sem_alloc : memref<!tpu.dma_semaphore, #tpu.memory_space<semaphore_mem>>
        %dma_start3A = tpu.memref_slice %arg7[%mul3A_170] : memref<20176xi32, #tpu.memory_space<vmem>> -> memref<112xi32, #tpu.memory_space<vmem>>
        %dma_start3A_193 = arith.constant 0 : i32
        %dma_start3A_194 = arith.constant 0 : i32
        %dma_start3A_195 = tpu.memref_slice %arg10[%dma_start3A_193, %dma_start3A_194] : memref<5120x128xf32, #tpu.memory_space<vmem_shared>> -> memref<5120x128xf32, #tpu.memory_space<vmem_shared>>
        tpu.enqueue_indirect_dma source(%arg8 : memref<112x128xf32, #tpu.memory_space<vmem>>) target(%dma_start3A_195 : memref<5120x128xf32, #tpu.memory_space<vmem_shared>>) offsets(%dma_start3A : memref<112xi32, #tpu.memory_space<vmem>>) semaphore(%run_scoped3A : memref<!tpu.dma_semaphore, #tpu.memory_space<semaphore_mem>>) {add = true}
        %dma_wait3A_196 = tpu.memref_slice %arg7[%mul3A_170] : memref<20176xi32, #tpu.memory_space<vmem>> -> memref<112xi32, #tpu.memory_space<vmem>>
        %dma_wait3A_197 = arith.constant 0 : i32
        %dma_wait3A_198 = arith.constant 0 : i32
        %dma_wait3A_199 = tpu.memref_slice %arg10[%dma_wait3A_197, %dma_wait3A_198] : memref<5120x128xf32, #tpu.memory_space<vmem_shared>> -> memref<5120x128xf32, #tpu.memory_space<vmem_shared>>
        tpu.wait_indirect_dma semaphore(%run_scoped3A : memref<!tpu.dma_semaphore, #tpu.memory_space<semaphore_mem>>) src(%arg8 : memref<112x128xf32, #tpu.memory_space<vmem>>) dst(%dma_wait3A_199 : memref<5120x128xf32, #tpu.memory_space<vmem_shared>>)
        tpu.yield
      }) : () -> ()
      %add3A_171 = arith.constant 2 : i32
      %add3A_172 = arith.addi %add3A_163, %add3A_171 : i32
      %lt3A = arith.cmpi slt, %add3A_172, %mul3A_55 : i32
      %convert_element_type3A_173 = arith.extui %lt3A : i1 to i32
      %cond3A_174 = arith.constant 0 : i32
      %cond3A_175 = arith.cmpi ne, %convert_element_type3A_173, %cond3A_174 : i32
      scf.if %cond3A_175 {
        %add3A_193 = arith.constant 2 : i32
        %add3A_194 = arith.addi %add3A_163, %add3A_193 : i32
        %mul3A_195 = arith.constant 112 : i32
        %mul3A_196 = arith.muli %add3A_194, %mul3A_195 : i32
        %dma_start3A = tpu.memref_slice %arg6[%mul3A_196] : memref<20176xi32, #tpu.memory_space<vmem>> -> memref<112xi32, #tpu.memory_space<vmem>>
        %dma_start3A_197 = arith.constant 0 : i32
        %dma_start3A_198 = arith.constant 0 : i32
        %dma_start3A_199 = tpu.memref_slice %arg2[%dma_start3A_197, %dma_start3A_198] : memref<10000x128xf32, #tpu.memory_space<hbm>> -> memref<10000x128xf32, #tpu.memory_space<hbm>>
        tpu.enqueue_indirect_dma source(%dma_start3A_199 : memref<10000x128xf32, #tpu.memory_space<hbm>>) target(%arg8 : memref<112x128xf32, #tpu.memory_space<vmem>>) offsets(%dma_start3A : memref<112xi32, #tpu.memory_space<vmem>>) semaphore(%arg11 : memref<!tpu.dma_semaphore, #tpu.memory_space<semaphore_mem>>)
      } else {
      }
      %add3A_176 = arith.constant 1 : i32
      %add3A_177 = arith.addi %mul3A_161, %add3A_176 : i32
      %mul3A_178 = arith.constant 112 : i32
      %mul3A_179 = arith.muli %add3A_177, %mul3A_178 : i32
      %dma_wait3A_180 = tpu.memref_slice %arg6[%mul3A_179] : memref<20176xi32, #tpu.memory_space<vmem>> -> memref<112xi32, #tpu.memory_space<vmem>>
      %dma_wait3A_181 = arith.constant 0 : i32
      %dma_wait3A_182 = arith.constant 0 : i32
      %dma_wait3A_183 = tpu.memref_slice %arg2[%dma_wait3A_181, %dma_wait3A_182] : memref<10000x128xf32, #tpu.memory_space<hbm>> -> memref<10000x128xf32, #tpu.memory_space<hbm>>
      tpu.wait_indirect_dma semaphore(%arg12 : memref<!tpu.dma_semaphore, #tpu.memory_space<semaphore_mem>>) src(%dma_wait3A_183 : memref<10000x128xf32, #tpu.memory_space<hbm>>) dst(%arg9 : memref<112x128xf32, #tpu.memory_space<vmem>>)
      %mul3A_184 = arith.constant 112 : i32
      %mul3A_185 = arith.muli %add3A_177, %mul3A_184 : i32
      "tpu.region"() ({
        %run_scoped3A = tpu.sem_alloc : memref<!tpu.dma_semaphore, #tpu.memory_space<semaphore_mem>>
        %dma_start3A = tpu.memref_slice %arg7[%mul3A_185] : memref<20176xi32, #tpu.memory_space<vmem>> -> memref<112xi32, #tpu.memory_space<vmem>>
        %dma_start3A_193 = arith.constant 0 : i32
        %dma_start3A_194 = arith.constant 0 : i32
        %dma_start3A_195 = tpu.memref_slice %arg10[%dma_start3A_193, %dma_start3A_194] : memref<5120x128xf32, #tpu.memory_space<vmem_shared>> -> memref<5120x128xf32, #tpu.memory_space<vmem_shared>>
        tpu.enqueue_indirect_dma source(%arg9 : memref<112x128xf32, #tpu.memory_space<vmem>>) target(%dma_start3A_195 : memref<5120x128xf32, #tpu.memory_space<vmem_shared>>) offsets(%dma_start3A : memref<112xi32, #tpu.memory_space<vmem>>) semaphore(%run_scoped3A : memref<!tpu.dma_semaphore, #tpu.memory_space<semaphore_mem>>) {add = true}
        %dma_wait3A_196 = tpu.memref_slice %arg7[%mul3A_185] : memref<20176xi32, #tpu.memory_space<vmem>> -> memref<112xi32, #tpu.memory_space<vmem>>
        %dma_wait3A_197 = arith.constant 0 : i32
        %dma_wait3A_198 = arith.constant 0 : i32
        %dma_wait3A_199 = tpu.memref_slice %arg10[%dma_wait3A_197, %dma_wait3A_198] : memref<5120x128xf32, #tpu.memory_space<vmem_shared>> -> memref<5120x128xf32, #tpu.memory_space<vmem_shared>>
        tpu.wait_indirect_dma semaphore(%run_scoped3A : memref<!tpu.dma_semaphore, #tpu.memory_space<semaphore_mem>>) src(%arg9 : memref<112x128xf32, #tpu.memory_space<vmem>>) dst(%dma_wait3A_199 : memref<5120x128xf32, #tpu.memory_space<vmem_shared>>)
        tpu.yield
      }) : () -> ()
      %add3A_186 = arith.constant 2 : i32
      %add3A_187 = arith.addi %add3A_177, %add3A_186 : i32
      %lt3A_188 = arith.cmpi slt, %add3A_187, %mul3A_55 : i32
      %convert_element_type3A_189 = arith.extui %lt3A_188 : i1 to i32
      %cond3A_190 = arith.constant 0 : i32
      %cond3A_191 = arith.cmpi ne, %convert_element_type3A_189, %cond3A_190 : i32
      scf.if %cond3A_191 {
        %add3A_193 = arith.constant 2 : i32
        %add3A_194 = arith.addi %add3A_177, %add3A_193 : i32
        %mul3A_195 = arith.constant 112 : i32
        %mul3A_196 = arith.muli %add3A_194, %mul3A_195 : i32
        %dma_start3A = tpu.memref_slice %arg6[%mul3A_196] : memref<20176xi32, #tpu.memory_space<vmem>> -> memref<112xi32, #tpu.memory_space<vmem>>
        %dma_start3A_197 = arith.constant 0 : i32
        %dma_start3A_198 = arith.constant 0 : i32
        %dma_start3A_199 = tpu.memref_slice %arg2[%dma_start3A_197, %dma_start3A_198] : memref<10000x128xf32, #tpu.memory_space<hbm>> -> memref<10000x128xf32, #tpu.memory_space<hbm>>
        tpu.enqueue_indirect_dma source(%dma_start3A_199 : memref<10000x128xf32, #tpu.memory_space<hbm>>) target(%arg9 : memref<112x128xf32, #tpu.memory_space<vmem>>) offsets(%dma_start3A : memref<112xi32, #tpu.memory_space<vmem>>) semaphore(%arg12 : memref<!tpu.dma_semaphore, #tpu.memory_space<semaphore_mem>>)
      } else {
      }
      %while3A_192 = arith.constant 0 : i32
      scf.yield %while3A_192 : i32
    }
    %barrier3A_157 = arith.constant 0 : index
    tpu.barrier barrier_id(%barrier3A_157)
    "tpu.region"() ({
      %run_scoped3A = tpu.sem_alloc : memref<!tpu.dma_semaphore, #tpu.memory_space<semaphore_mem>>
      %dma_start3A = arith.constant 0 : i32
      %dma_start3A_158 = tpu.memref_slice %arg5[%arg0, %mul3A_109, %dma_start3A] : memref<2x5120x128xf32, #tpu.memory_space<hbm>> -> memref<1x320x128xf32, #tpu.memory_space<hbm>>
      %dma_start3A_159 = tpu.memref_squeeze %dma_start3A_158 : memref<1x320x128xf32, #tpu.memory_space<hbm>> -> memref<320x128xf32, #tpu.memory_space<hbm>>
      %dma_start3A_160 = arith.constant 0 : i32
      %dma_start3A_161 = tpu.memref_slice %arg10[%mul3A_109, %dma_start3A_160] : memref<5120x128xf32, #tpu.memory_space<vmem_shared>> -> memref<320x128xf32, #tpu.memory_space<vmem_shared>>
      tpu.enqueue_dma source(%dma_start3A_161 : memref<320x128xf32, #tpu.memory_space<vmem_shared>>) target(%dma_start3A_159 : memref<320x128xf32, #tpu.memory_space<hbm>>) target_semaphore(%run_scoped3A : memref<!tpu.dma_semaphore, #tpu.memory_space<semaphore_mem>>)
      %dma_wait3A = arith.constant 0 : i32
      %dma_wait3A_162 = tpu.memref_slice %arg5[%arg0, %mul3A_109, %dma_wait3A] : memref<2x5120x128xf32, #tpu.memory_space<hbm>> -> memref<1x320x128xf32, #tpu.memory_space<hbm>>
      %dma_wait3A_163 = tpu.memref_squeeze %dma_wait3A_162 : memref<1x320x128xf32, #tpu.memory_space<hbm>> -> memref<320x128xf32, #tpu.memory_space<hbm>>
      %dma_wait3A_164 = arith.constant 0 : i32
      %dma_wait3A_165 = tpu.memref_slice %arg10[%mul3A_109, %dma_wait3A_164] : memref<5120x128xf32, #tpu.memory_space<vmem_shared>> -> memref<320x128xf32, #tpu.memory_space<vmem_shared>>
      tpu.wait_dma2 semaphore(%run_scoped3A : memref<!tpu.dma_semaphore, #tpu.memory_space<semaphore_mem>>) src(%dma_wait3A_165 : memref<320x128xf32, #tpu.memory_space<vmem_shared>>) dst(%dma_wait3A_163 : memref<320x128xf32, #tpu.memory_space<hbm>>)
      tpu.yield
    }) : () -> ()
    return
  }
}

#map = affine_map<(d0, d1) -> (0, 0)>
#map1 = affine_map<(d0, d1) -> (0, 0, 0)>
module attributes {stable_mosaic.version = 14 : i64} {
  func.func @_scatter_kernel(%arg0: i32, %arg1: i32, %arg2: memref<10000x128xf32, #tpu.memory_space<hbm>>, %arg3: memref<16x20176xi32, #tpu.memory_space<hbm>>, %arg4: memref<16x20176xi32, #tpu.memory_space<hbm>>, %arg5: memref<2x5120x128xf32, #tpu.memory_space<hbm>>, %arg6: memref<20176xi32, #tpu.memory_space<vmem>>, %arg7: memref<20176xi32, #tpu.memory_space<vmem>>, %arg8: memref<112x128xf32, #tpu.memory_space<vmem>>, %arg9: memref<112x128xf32, #tpu.memory_space<vmem>>, %arg10: memref<5120x128xf32, #tpu.memory_space<vmem_shared>>, %arg11: memref<!tpu.dma_semaphore, #tpu.memory_space<semaphore_mem>>, %arg12: memref<!tpu.dma_semaphore, #tpu.memory_space<semaphore_mem>>) attributes {dimension_semantics = [#tpu.dimension_semantics<core_parallel>, #tpu.dimension_semantics<subcore_parallel>], iteration_bounds = array<i64: 2, 16>, scalar_prefetch = 0 : i64, scratch_operands = 7 : i64, tpu.core_type = #tpu.core_type<sc_vector_subcore>, window_params = [{transform_indices = #map}, {transform_indices = #map}, {transform_indices = #map}, {transform_indices = #map1}]} {
    "tpu.region"() ({
      %run_scoped3A = tpu.sem_alloc : memref<!tpu.dma_semaphore, #tpu.memory_space<semaphore_mem>>
      %dma_start3A = arith.constant 0 : i32
      %dma_start3A_158 = tpu.memref_slice %arg3[%arg1, %dma_start3A] : memref<16x20176xi32, #tpu.memory_space<hbm>> -> memref<1x20176xi32, #tpu.memory_space<hbm>>
      %dma_start3A_159 = tpu.memref_squeeze %dma_start3A_158 : memref<1x20176xi32, #tpu.memory_space<hbm>> -> memref<20176xi32, #tpu.memory_space<hbm>>
      %dma_start3A_160 = arith.constant 0 : i32
      %dma_start3A_161 = tpu.memref_slice %arg3[%arg1, %dma_start3A_160] : memref<16x20176xi32, #tpu.memory_space<hbm>> -> memref<1x20176xi32, #tpu.memory_space<hbm>>
      %dma_start3A_162 = tpu.memref_squeeze %dma_start3A_161 : memref<1x20176xi32, #tpu.memory_space<hbm>> -> memref<20176xi32, #tpu.memory_space<hbm>>
      tpu.enqueue_dma source(%dma_start3A_162 : memref<20176xi32, #tpu.memory_space<hbm>>) target(%arg6 : memref<20176xi32, #tpu.memory_space<vmem>>) target_semaphore(%run_scoped3A : memref<!tpu.dma_semaphore, #tpu.memory_space<semaphore_mem>>)
      %dma_wait3A = arith.constant 0 : i32
      %dma_wait3A_163 = tpu.memref_slice %arg3[%arg1, %dma_wait3A] : memref<16x20176xi32, #tpu.memory_space<hbm>> -> memref<1x20176xi32, #tpu.memory_space<hbm>>
      %dma_wait3A_164 = tpu.memref_squeeze %dma_wait3A_163 : memref<1x20176xi32, #tpu.memory_space<hbm>> -> memref<20176xi32, #tpu.memory_space<hbm>>
      %dma_wait3A_165 = arith.constant 0 : i32
      %dma_wait3A_166 = tpu.memref_slice %arg3[%arg1, %dma_wait3A_165] : memref<16x20176xi32, #tpu.memory_space<hbm>> -> memref<1x20176xi32, #tpu.memory_space<hbm>>
      %dma_wait3A_167 = tpu.memref_squeeze %dma_wait3A_166 : memref<1x20176xi32, #tpu.memory_space<hbm>> -> memref<20176xi32, #tpu.memory_space<hbm>>
      tpu.wait_dma2 semaphore(%run_scoped3A : memref<!tpu.dma_semaphore, #tpu.memory_space<semaphore_mem>>) src(%dma_wait3A_167 : memref<20176xi32, #tpu.memory_space<hbm>>) dst(%arg6 : memref<20176xi32, #tpu.memory_space<vmem>>)
      tpu.yield
    }) : () -> ()
    "tpu.region"() ({
      %run_scoped3A = tpu.sem_alloc : memref<!tpu.dma_semaphore, #tpu.memory_space<semaphore_mem>>
      %dma_start3A = arith.constant 0 : i32
      %dma_start3A_158 = tpu.memref_slice %arg4[%arg1, %dma_start3A] : memref<16x20176xi32, #tpu.memory_space<hbm>> -> memref<1x20176xi32, #tpu.memory_space<hbm>>
      %dma_start3A_159 = tpu.memref_squeeze %dma_start3A_158 : memref<1x20176xi32, #tpu.memory_space<hbm>> -> memref<20176xi32, #tpu.memory_space<hbm>>
      %dma_start3A_160 = arith.constant 0 : i32
      %dma_start3A_161 = tpu.memref_slice %arg4[%arg1, %dma_start3A_160] : memref<16x20176xi32, #tpu.memory_space<hbm>> -> memref<1x20176xi32, #tpu.memory_space<hbm>>
      %dma_start3A_162 = tpu.memref_squeeze %dma_start3A_161 : memref<1x20176xi32, #tpu.memory_space<hbm>> -> memref<20176xi32, #tpu.memory_space<hbm>>
      tpu.enqueue_dma source(%dma_start3A_162 : memref<20176xi32, #tpu.memory_space<hbm>>) target(%arg7 : memref<20176xi32, #tpu.memory_space<vmem>>) target_semaphore(%run_scoped3A : memref<!tpu.dma_semaphore, #tpu.memory_space<semaphore_mem>>)
      %dma_wait3A = arith.constant 0 : i32
      %dma_wait3A_163 = tpu.memref_slice %arg4[%arg1, %dma_wait3A] : memref<16x20176xi32, #tpu.memory_space<hbm>> -> memref<1x20176xi32, #tpu.memory_space<hbm>>
      %dma_wait3A_164 = tpu.memref_squeeze %dma_wait3A_163 : memref<1x20176xi32, #tpu.memory_space<hbm>> -> memref<20176xi32, #tpu.memory_space<hbm>>
      %dma_wait3A_165 = arith.constant 0 : i32
      %dma_wait3A_166 = tpu.memref_slice %arg4[%arg1, %dma_wait3A_165] : memref<16x20176xi32, #tpu.memory_space<hbm>> -> memref<1x20176xi32, #tpu.memory_space<hbm>>
      %dma_wait3A_167 = tpu.memref_squeeze %dma_wait3A_166 : memref<1x20176xi32, #tpu.memory_space<hbm>> -> memref<20176xi32, #tpu.memory_space<hbm>>
      tpu.wait_dma2 semaphore(%run_scoped3A : memref<!tpu.dma_semaphore, #tpu.memory_space<semaphore_mem>>) src(%dma_wait3A_167 : memref<20176xi32, #tpu.memory_space<hbm>>) dst(%arg7 : memref<20176xi32, #tpu.memory_space<vmem>>)
      tpu.yield
    }) : () -> ()
    %mul3A = arith.constant 5000 : i32
    %mul3A_0 = arith.muli %arg0, %mul3A : i32
    %scan3A = arith.constant 0 : i32
    %scan3A_1 = arith.constant 0 : i32
    %scan3A_2 = arith.constant 1261 : i32
    %scan3A_3 = arith.addi %scan3A_1, %scan3A_2 : i32
    %scan3A_4 = arith.constant 1 : i32
    %scan3A_5 = scf.for %scan3A_158 = %scan3A_1 to %scan3A_3 step %scan3A_4 iter_args(%scan3A_159 = %scan3A) -> (i32)  : i32 {
      %mul3A_160 = arith.constant 16 : i32
      %mul3A_161 = arith.muli %scan3A_158, %mul3A_160 : i32
      %get3A = arith.index_cast %mul3A_161 : i32 to index
      %get3A_162 = tpu.vector_load %arg6[%get3A] {strides = array<i32>} : memref<20176xi32, #tpu.memory_space<vmem>>, vector<16xi32>,
      %mul3A_163 = arith.constant 16 : i32
      %mul3A_164 = arith.muli %scan3A_158, %mul3A_163 : i32
      %get3A_165 = arith.index_cast %mul3A_164 : i32 to index
      %get3A_166 = tpu.vector_load %arg7[%get3A_165] {strides = array<i32>} : memref<20176xi32, #tpu.memory_space<vmem>>, vector<16xi32>,
      %sub3A_167 = vector.broadcast %mul3A_0 : i32 to vector<16xi32>
      %sub3A_168 = arith.subi %get3A_166, %sub3A_167 : vector<16xi32>
      %ge3A = arith.constant 0 : i32
      %ge3A_169 = vector.broadcast %ge3A : i32 to vector<16xi32>
      %ge3A_170 = arith.cmpi sge, %sub3A_168, %ge3A_169 : vector<16xi32>
      %lt3A = arith.constant 5000 : i32
      %lt3A_171 = vector.broadcast %lt3A : i32 to vector<16xi32>
      %lt3A_172 = arith.cmpi slt, %sub3A_168, %lt3A_171 : vector<16xi32>
      %and3A_173 = arith.andi %ge3A_170, %lt3A_172 : vector<16xi1>
      %swap3A = arith.index_cast %scan3A_159 : i32 to index
      %swap3A_174 = tpu.vector_load %arg6[%swap3A] masked %and3A_173 {strides = array<i32>} : memref<20176xi32, #tpu.memory_space<vmem>>, vector<16xi32>, vector<16xi1>
      tpu.vector_store %arg6[%swap3A], %get3A_162 masked %and3A_173 {strides = array<i32>} : memref<20176xi32, #tpu.memory_space<vmem>>, vector<16xi32>, vector<16xi1>
      %swap3A_175 = arith.index_cast %scan3A_159 : i32 to index
      %swap3A_176 = tpu.vector_load %arg7[%swap3A_175] masked %and3A_173 {strides = array<i32>} : memref<20176xi32, #tpu.memory_space<vmem>>, vector<16xi32>, vector<16xi1>
      tpu.vector_store %arg7[%swap3A_175], %sub3A_168 masked %and3A_173 {strides = array<i32>} : memref<20176xi32, #tpu.memory_space<vmem>>, vector<16xi32>, vector<16xi1>
      %all_reduce_population_count3A = tpu.all_reduce %and3A_173 {dim = 0 : i64, kind = #tpu.reduction_kind<sum>} : vector<16xi1> -> vector<16xi32>
      %reduce_max3A = arith.constant true
      %reduce_max3A_177 = vector.broadcast %reduce_max3A : i1 to vector<16xi1>
      %reduce_max3A_178 = arith.constant -2147483648 : i32
      %reduce_max3A_179 = vector.broadcast %reduce_max3A_178 : i32 to vector<16xi32>
      %reduce_max3A_180 = arith.xori %all_reduce_population_count3A, %reduce_max3A_179 : vector<16xi32>
      %reduce_max3A_181 = tpu.scan <max>, %reduce_max3A_180 masked %reduce_max3A_177 : vector<16xi32>, vector<16xi1> -> vector<16xi32>
      %reduce_max3A_182 = arith.xori %reduce_max3A_181, %reduce_max3A_179 : vector<16xi32>
      %reduce_max3A_183 = vector.extract %reduce_max3A_182[15] : i32 from vector<16xi32>
      %add3A_184 = arith.addi %scan3A_159, %reduce_max3A_183 : i32
      scf.yield %add3A_184 : i32
    }
    %scan3A_6 = arith.constant 1261 : i32
    %add3A = arith.constant 112 : i32
    %add3A_7 = arith.addi %scan3A_5, %add3A : i32
    %sub3A = arith.constant 1 : i32
    %sub3A_8 = arith.subi %add3A_7, %sub3A : i32
    %jit3A = arith.constant 112 : i32
    %div3A = arith.divsi %sub3A_8, %jit3A : i32
    %sign3A = arith.constant 0 : i32
    %sign3A_9 = arith.cmpi sgt, %sub3A_8, %sign3A : i32
    %sign3A_10 = arith.extui %sign3A_9 : i1 to i32
    %sign3A_11 = arith.constant 0 : i32
    %sign3A_12 = arith.cmpi slt, %sub3A_8, %sign3A_11 : i32
    %sign3A_13 = arith.extui %sign3A_12 : i1 to i32
    %sign3A_14 = arith.subi %sign3A_10, %sign3A_13 : i32
    %sign3A_15 = arith.constant 0 : i32
    %sign3A_16 = arith.cmpi sgt, %jit3A, %sign3A_15 : i32
    %sign3A_17 = arith.extui %sign3A_16 : i1 to i32
    %sign3A_18 = arith.constant 0 : i32
    %sign3A_19 = arith.cmpi slt, %jit3A, %sign3A_18 : i32
    %sign3A_20 = arith.extui %sign3A_19 : i1 to i32
    %sign3A_21 = arith.subi %sign3A_17, %sign3A_20 : i32
    %ne3A = arith.cmpi ne, %sign3A_14, %sign3A_21 : i32
    %rem3A = arith.remsi %sub3A_8, %jit3A : i32
    %ne3A_22 = arith.constant 0 : i32
    %ne3A_23 = arith.cmpi ne, %rem3A, %ne3A_22 : i32
    %and3A = arith.andi %ne3A, %ne3A_23 : i1
    %sub3A_24 = arith.constant 1 : i32
    %sub3A_25 = arith.subi %div3A, %sub3A_24 : i32
    %select_n3A = arith.select %and3A, %sub3A_25, %div3A : i32
    %add3A_26 = arith.constant 2 : i32
    %add3A_27 = arith.addi %select_n3A, %add3A_26 : i32
    %sub3A_28 = arith.constant 1 : i32
    %sub3A_29 = arith.subi %add3A_27, %sub3A_28 : i32
    %jit3A_30 = arith.constant 2 : i32
    %div3A_31 = arith.divsi %sub3A_29, %jit3A_30 : i32
    %sign3A_32 = arith.constant 0 : i32
    %sign3A_33 = arith.cmpi sgt, %sub3A_29, %sign3A_32 : i32
    %sign3A_34 = arith.extui %sign3A_33 : i1 to i32
    %sign3A_35 = arith.constant 0 : i32
    %sign3A_36 = arith.cmpi slt, %sub3A_29, %sign3A_35 : i32
    %sign3A_37 = arith.extui %sign3A_36 : i1 to i32
    %sign3A_38 = arith.subi %sign3A_34, %sign3A_37 : i32
    %sign3A_39 = arith.constant 0 : i32
    %sign3A_40 = arith.cmpi sgt, %jit3A_30, %sign3A_39 : i32
    %sign3A_41 = arith.extui %sign3A_40 : i1 to i32
    %sign3A_42 = arith.constant 0 : i32
    %sign3A_43 = arith.cmpi slt, %jit3A_30, %sign3A_42 : i32
    %sign3A_44 = arith.extui %sign3A_43 : i1 to i32
    %sign3A_45 = arith.subi %sign3A_41, %sign3A_44 : i32
    %ne3A_46 = arith.cmpi ne, %sign3A_38, %sign3A_45 : i32
    %rem3A_47 = arith.remsi %sub3A_29, %jit3A_30 : i32
    %ne3A_48 = arith.constant 0 : i32
    %ne3A_49 = arith.cmpi ne, %rem3A_47, %ne3A_48 : i32
    %and3A_50 = arith.andi %ne3A_46, %ne3A_49 : i1
    %sub3A_51 = arith.constant 1 : i32
    %sub3A_52 = arith.subi %div3A_31, %sub3A_51 : i32
    %select_n3A_53 = arith.select %and3A_50, %sub3A_52, %div3A_31 : i32
    %mul3A_54 = arith.constant 2 : i32
    %mul3A_55 = arith.muli %select_n3A_53, %mul3A_54 : i32
    %broadcast_in_dim3A = arith.constant 0 : i32
    %broadcast_in_dim3A_56 = vector.broadcast %broadcast_in_dim3A : i32 to vector<16xi32>
    %broadcast_in_dim3A_57 = arith.constant 5000 : i32
    %broadcast_in_dim3A_58 = vector.broadcast %broadcast_in_dim3A_57 : i32 to vector<16xi32>
    %mul3A_59 = arith.constant 112 : i32
    %mul3A_60 = arith.muli %mul3A_55, %mul3A_59 : i32
    %sub3A_61 = arith.subi %mul3A_60, %scan3A_5 : i32
    %add3A_62 = arith.constant 15 : i32
    %add3A_63 = arith.addi %sub3A_61, %add3A_62 : i32
    %jit3A_64 = arith.constant 16 : i32
    %div3A_65 = arith.divsi %add3A_63, %jit3A_64 : i32
    %sign3A_66 = arith.constant 0 : i32
    %sign3A_67 = arith.cmpi sgt, %add3A_63, %sign3A_66 : i32
    %sign3A_68 = arith.extui %sign3A_67 : i1 to i32
    %sign3A_69 = arith.constant 0 : i32
    %sign3A_70 = arith.cmpi slt, %add3A_63, %sign3A_69 : i32
    %sign3A_71 = arith.extui %sign3A_70 : i1 to i32
    %sign3A_72 = arith.subi %sign3A_68, %sign3A_71 : i32
    %sign3A_73 = arith.constant 0 : i32
    %sign3A_74 = arith.cmpi sgt, %jit3A_64, %sign3A_73 : i32
    %sign3A_75 = arith.extui %sign3A_74 : i1 to i32
    %sign3A_76 = arith.constant 0 : i32
    %sign3A_77 = arith.cmpi slt, %jit3A_64, %sign3A_76 : i32
    %sign3A_78 = arith.extui %sign3A_77 : i1 to i32
    %sign3A_79 = arith.subi %sign3A_75, %sign3A_78 : i32
    %ne3A_80 = arith.cmpi ne, %sign3A_72, %sign3A_79 : i32
    %rem3A_81 = arith.remsi %add3A_63, %jit3A_64 : i32
    %ne3A_82 = arith.constant 0 : i32
    %ne3A_83 = arith.cmpi ne, %rem3A_81, %ne3A_82 : i32
    %and3A_84 = arith.andi %ne3A_80, %ne3A_83 : i1
    %sub3A_85 = arith.constant 1 : i32
    %sub3A_86 = arith.subi %div3A_65, %sub3A_85 : i32
    %select_n3A_87 = arith.select %and3A_84, %sub3A_86, %div3A_65 : i32
    %while3A = arith.constant 0 : i32
    %while3A_88 = arith.constant 0 : i32
    %while3A_89 = arith.subi %select_n3A_87, %while3A : i32
    %while3A_90 = arith.addi %while3A, %while3A_89 : i32
    %while3A_91 = arith.constant 1 : i32
    %while3A_92 = arith.divsi %while3A_89, %while3A_91 : i32
    %while3A_93 = arith.muli %while3A_92, %while3A_91 : i32
    %while3A_94 = arith.addi %while3A, %while3A_93 : i32
    %while3A_95 = arith.constant 1 : i32
    %while3A_96 = scf.for %while3A_158 = %while3A to %while3A_94 step %while3A_95 iter_args(%while3A_159 = %while3A_88) -> (i32)  : i32 {
      %mul3A_160 = arith.constant 16 : i32
      %mul3A_161 = arith.muli %while3A_158, %mul3A_160 : i32
      %add3A_162 = arith.addi %scan3A_5, %mul3A_161 : i32
      %swap3A = arith.index_cast %add3A_162 : i32 to index
      %swap3A_163 = tpu.vector_load %arg6[%swap3A] {strides = array<i32>} : memref<20176xi32, #tpu.memory_space<vmem>>, vector<16xi32>,
      tpu.vector_store %arg6[%swap3A], %broadcast_in_dim3A_56 {strides = array<i32>} : memref<20176xi32, #tpu.memory_space<vmem>>, vector<16xi32>,
      %swap3A_164 = arith.index_cast %add3A_162 : i32 to index
      %swap3A_165 = tpu.vector_load %arg7[%swap3A_164] {strides = array<i32>} : memref<20176xi32, #tpu.memory_space<vmem>>, vector<16xi32>,
      tpu.vector_store %arg7[%swap3A_164], %broadcast_in_dim3A_58 {strides = array<i32>} : memref<20176xi32, #tpu.memory_space<vmem>>, vector<16xi32>,
      %while3A_166 = arith.constant 0 : i32
      scf.yield %while3A_166 : i32
    }
    %while3A_97 = arith.constant 1 : i32
    %while3A_98 = scf.for %while3A_158 = %while3A_94 to %while3A_90 step %while3A_97 iter_args(%while3A_159 = %while3A_96) -> (i32)  : i32 {
      %mul3A_160 = arith.constant 16 : i32
      %mul3A_161 = arith.muli %while3A_158, %mul3A_160 : i32
      %add3A_162 = arith.addi %scan3A_5, %mul3A_161 : i32
      %swap3A = arith.index_cast %add3A_162 : i32 to index
      %swap3A_163 = tpu.vector_load %arg6[%swap3A] {strides = array<i32>} : memref<20176xi32, #tpu.memory_space<vmem>>, vector<16xi32>,
      tpu.vector_store %arg6[%swap3A], %broadcast_in_dim3A_56 {strides = array<i32>} : memref<20176xi32, #tpu.memory_space<vmem>>, vector<16xi32>,
      %swap3A_164 = arith.index_cast %add3A_162 : i32 to index
      %swap3A_165 = tpu.vector_load %arg7[%swap3A_164] {strides = array<i32>} : memref<20176xi32, #tpu.memory_space<vmem>>, vector<16xi32>,
      tpu.vector_store %arg7[%swap3A_164], %broadcast_in_dim3A_58 {strides = array<i32>} : memref<20176xi32, #tpu.memory_space<vmem>>, vector<16xi32>,
      %while3A_166 = arith.constant 0 : i32
      scf.yield %while3A_166 : i32
    }
    %broadcast_in_dim3A_99 = arith.constant 0.000000e+00 : f32
    %broadcast_in_dim3A_100 = vector.broadcast %broadcast_in_dim3A_99 : f32 to vector<16xf32>
    %scan3A_101 = arith.constant 0 : i32
    %scan3A_102 = arith.constant 0 : i32
    %scan3A_103 = arith.constant 112 : i32
    %scan3A_104 = arith.addi %scan3A_102, %scan3A_103 : i32
    %scan3A_105 = arith.constant 1 : i32
    %scan3A_106 = scf.for %scan3A_158 = %scan3A_102 to %scan3A_104 step %scan3A_105 iter_args(%scan3A_159 = %scan3A_101) -> (i32)  : i32 {
      %swap3A = arith.index_cast %scan3A_158 : i32 to index
      %swap3A_160 = arith.constant 0 : index
      %swap3A_161 = tpu.vector_load %arg8[%swap3A, %swap3A_160] {strides = array<i32>} : memref<112x128xf32, #tpu.memory_space<vmem>>, vector<16xf32>,
      tpu.vector_store %arg8[%swap3A, %swap3A_160], %broadcast_in_dim3A_100 {strides = array<i32>} : memref<112x128xf32, #tpu.memory_space<vmem>>, vector<16xf32>,
      %swap3A_162 = arith.index_cast %scan3A_158 : i32 to index
      %swap3A_163 = arith.constant 16 : index
      %swap3A_164 = tpu.vector_load %arg8[%swap3A_162, %swap3A_163] {strides = array<i32>} : memref<112x128xf32, #tpu.memory_space<vmem>>, vector<16xf32>,
      tpu.vector_store %arg8[%swap3A_162, %swap3A_163], %broadcast_in_dim3A_100 {strides = array<i32>} : memref<112x128xf32, #tpu.memory_space<vmem>>, vector<16xf32>,
      %swap3A_165 = arith.index_cast %scan3A_158 : i32 to index
      %swap3A_166 = arith.constant 32 : index
      %swap3A_167 = tpu.vector_load %arg8[%swap3A_165, %swap3A_166] {strides = array<i32>} : memref<112x128xf32, #tpu.memory_space<vmem>>, vector<16xf32>,
      tpu.vector_store %arg8[%swap3A_165, %swap3A_166], %broadcast_in_dim3A_100 {strides = array<i32>} : memref<112x128xf32, #tpu.memory_space<vmem>>, vector<16xf32>,
      %swap3A_168 = arith.index_cast %scan3A_158 : i32 to index
      %swap3A_169 = arith.constant 48 : index
      %swap3A_170 = tpu.vector_load %arg8[%swap3A_168, %swap3A_169] {strides = array<i32>} : memref<112x128xf32, #tpu.memory_space<vmem>>, vector<16xf32>,
      tpu.vector_store %arg8[%swap3A_168, %swap3A_169], %broadcast_in_dim3A_100 {strides = array<i32>} : memref<112x128xf32, #tpu.memory_space<vmem>>, vector<16xf32>,
      %swap3A_171 = arith.index_cast %scan3A_158 : i32 to index
      %swap3A_172 = arith.constant 64 : index
      %swap3A_173 = tpu.vector_load %arg8[%swap3A_171, %swap3A_172] {strides = array<i32>} : memref<112x128xf32, #tpu.memory_space<vmem>>, vector<16xf32>,
      tpu.vector_store %arg8[%swap3A_171, %swap3A_172], %broadcast_in_dim3A_100 {strides = array<i32>} : memref<112x128xf32, #tpu.memory_space<vmem>>, vector<16xf32>,
      %swap3A_174 = arith.index_cast %scan3A_158 : i32 to index
      %swap3A_175 = arith.constant 80 : index
      %swap3A_176 = tpu.vector_load %arg8[%swap3A_174, %swap3A_175] {strides = array<i32>} : memref<112x128xf32, #tpu.memory_space<vmem>>, vector<16xf32>,
      tpu.vector_store %arg8[%swap3A_174, %swap3A_175], %broadcast_in_dim3A_100 {strides = array<i32>} : memref<112x128xf32, #tpu.memory_space<vmem>>, vector<16xf32>,
      %swap3A_177 = arith.index_cast %scan3A_158 : i32 to index
      %swap3A_178 = arith.constant 96 : index
      %swap3A_179 = tpu.vector_load %arg8[%swap3A_177, %swap3A_178] {strides = array<i32>} : memref<112x128xf32, #tpu.memory_space<vmem>>, vector<16xf32>,
      tpu.vector_store %arg8[%swap3A_177, %swap3A_178], %broadcast_in_dim3A_100 {strides = array<i32>} : memref<112x128xf32, #tpu.memory_space<vmem>>, vector<16xf32>,
      %swap3A_180 = arith.index_cast %scan3A_158 : i32 to index
      %swap3A_181 = arith.constant 112 : index
      %swap3A_182 = tpu.vector_load %arg8[%swap3A_180, %swap3A_181] {strides = array<i32>} : memref<112x128xf32, #tpu.memory_space<vmem>>, vector<16xf32>,
      tpu.vector_store %arg8[%swap3A_180, %swap3A_181], %broadcast_in_dim3A_100 {strides = array<i32>} : memref<112x128xf32, #tpu.memory_space<vmem>>, vector<16xf32>,
      %scan3A_183 = arith.constant 0 : i32
      scf.yield %scan3A_183 : i32
    }
    %scan3A_107 = arith.constant 112 : i32
    %mul3A_108 = arith.constant 320 : i32
    %mul3A_109 = arith.muli %arg1, %mul3A_108 : i32
    %add3A_110 = arith.constant 0 : i32
    %add3A_111 = arith.addi %mul3A_109, %add3A_110 : i32
    "tpu.region"() ({
      %run_scoped3A = tpu.sem_alloc : memref<!tpu.dma_semaphore, #tpu.memory_space<semaphore_mem>>
      %dma_start3A = arith.constant 0 : i32
      %dma_start3A_158 = tpu.memref_slice %arg10[%add3A_111, %dma_start3A] : memref<5120x128xf32, #tpu.memory_space<vmem_shared>> -> memref<112x128xf32, #tpu.memory_space<vmem_shared>>
      %dma_start3A_159 = arith.constant 0 : i32
      %dma_start3A_160 = tpu.memref_slice %arg10[%add3A_111, %dma_start3A_159] : memref<5120x128xf32, #tpu.memory_space<vmem_shared>> -> memref<112x128xf32, #tpu.memory_space<vmem_shared>>
      tpu.enqueue_dma source(%arg8 : memref<112x128xf32, #tpu.memory_space<vmem>>) target(%dma_start3A_160 : memref<112x128xf32, #tpu.memory_space<vmem_shared>>) target_semaphore(%run_scoped3A : memref<!tpu.dma_semaphore, #tpu.memory_space<semaphore_mem>>)
      %dma_wait3A = arith.constant 0 : i32
      %dma_wait3A_161 = tpu.memref_slice %arg10[%add3A_111, %dma_wait3A] : memref<5120x128xf32, #tpu.memory_space<vmem_shared>> -> memref<112x128xf32, #tpu.memory_space<vmem_shared>>
      %dma_wait3A_162 = arith.constant 0 : i32
      %dma_wait3A_163 = tpu.memref_slice %arg10[%add3A_111, %dma_wait3A_162] : memref<5120x128xf32, #tpu.memory_space<vmem_shared>> -> memref<112x128xf32, #tpu.memory_space<vmem_shared>>
      tpu.wait_dma2 semaphore(%run_scoped3A : memref<!tpu.dma_semaphore, #tpu.memory_space<semaphore_mem>>) src(%arg8 : memref<112x128xf32, #tpu.memory_space<vmem>>) dst(%dma_wait3A_163 : memref<112x128xf32, #tpu.memory_space<vmem_shared>>)
      tpu.yield
    }) : () -> ()
    %add3A_112 = arith.constant 112 : i32
    %add3A_113 = arith.addi %mul3A_109, %add3A_112 : i32
    "tpu.region"() ({
      %run_scoped3A = tpu.sem_alloc : memref<!tpu.dma_semaphore, #tpu.memory_space<semaphore_mem>>
      %dma_start3A = arith.constant 0 : i32
      %dma_start3A_158 = tpu.memref_slice %arg10[%add3A_113, %dma_start3A] : memref<5120x128xf32, #tpu.memory_space<vmem_shared>> -> memref<112x128xf32, #tpu.memory_space<vmem_shared>>
      %dma_start3A_159 = arith.constant 0 : i32
      %dma_start3A_160 = tpu.memref_slice %arg10[%add3A_113, %dma_start3A_159] : memref<5120x128xf32, #tpu.memory_space<vmem_shared>> -> memref<112x128xf32, #tpu.memory_space<vmem_shared>>
      tpu.enqueue_dma source(%arg8 : memref<112x128xf32, #tpu.memory_space<vmem>>) target(%dma_start3A_160 : memref<112x128xf32, #tpu.memory_space<vmem_shared>>) target_semaphore(%run_scoped3A : memref<!tpu.dma_semaphore, #tpu.memory_space<semaphore_mem>>)
      %dma_wait3A = arith.constant 0 : i32
      %dma_wait3A_161 = tpu.memref_slice %arg10[%add3A_113, %dma_wait3A] : memref<5120x128xf32, #tpu.memory_space<vmem_shared>> -> memref<112x128xf32, #tpu.memory_space<vmem_shared>>
      %dma_wait3A_162 = arith.constant 0 : i32
      %dma_wait3A_163 = tpu.memref_slice %arg10[%add3A_113, %dma_wait3A_162] : memref<5120x128xf32, #tpu.memory_space<vmem_shared>> -> memref<112x128xf32, #tpu.memory_space<vmem_shared>>
      tpu.wait_dma2 semaphore(%run_scoped3A : memref<!tpu.dma_semaphore, #tpu.memory_space<semaphore_mem>>) src(%arg8 : memref<112x128xf32, #tpu.memory_space<vmem>>) dst(%dma_wait3A_163 : memref<112x128xf32, #tpu.memory_space<vmem_shared>>)
      tpu.yield
    }) : () -> ()
    %barrier3A = arith.constant 0 : index
    tpu.barrier barrier_id(%barrier3A)
    %gt3A = arith.constant 0 : i32
    %gt3A_114 = arith.cmpi sgt, %mul3A_55, %gt3A : i32
    %convert_element_type3A = arith.extui %gt3A_114 : i1 to i32
    %cond3A = arith.constant 0 : i32
    %cond3A_115 = arith.cmpi ne, %convert_element_type3A, %cond3A : i32
    scf.if %cond3A_115 {
      %dma_start3A = arith.constant 0 : i32
      %dma_start3A_158 = tpu.memref_slice %arg6[%dma_start3A] : memref<20176xi32, #tpu.memory_space<vmem>> -> memref<112xi32, #tpu.memory_space<vmem>>
      %dma_start3A_159 = arith.constant 0 : i32
      %dma_start3A_160 = arith.constant 0 : i32
      %dma_start3A_161 = tpu.memref_slice %arg2[%dma_start3A_159, %dma_start3A_160] : memref<10000x128xf32, #tpu.memory_space<hbm>> -> memref<10000x128xf32, #tpu.memory_space<hbm>>
      tpu.enqueue_indirect_dma source(%dma_start3A_161 : memref<10000x128xf32, #tpu.memory_space<hbm>>) target(%arg8 : memref<112x128xf32, #tpu.memory_space<vmem>>) offsets(%dma_start3A_158 : memref<112xi32, #tpu.memory_space<vmem>>) semaphore(%arg11 : memref<!tpu.dma_semaphore, #tpu.memory_space<semaphore_mem>>)
    } else {
    }
    %gt3A_116 = arith.constant 1 : i32
    %gt3A_117 = arith.cmpi sgt, %mul3A_55, %gt3A_116 : i32
    %convert_element_type3A_118 = arith.extui %gt3A_117 : i1 to i32
    %cond3A_119 = arith.constant 0 : i32
    %cond3A_120 = arith.cmpi ne, %convert_element_type3A_118, %cond3A_119 : i32
    scf.if %cond3A_120 {
      %dma_start3A = arith.constant 112 : i32
      %dma_start3A_158 = tpu.memref_slice %arg6[%dma_start3A] : memref<20176xi32, #tpu.memory_space<vmem>> -> memref<112xi32, #tpu.memory_space<vmem>>
      %dma_start3A_159 = arith.constant 0 : i32
      %dma_start3A_160 = arith.constant 0 : i32
      %dma_start3A_161 = tpu.memref_slice %arg2[%dma_start3A_159, %dma_start3A_160] : memref<10000x128xf32, #tpu.memory_space<hbm>> -> memref<10000x128xf32, #tpu.memory_space<hbm>>
      tpu.enqueue_indirect_dma source(%dma_start3A_161 : memref<10000x128xf32, #tpu.memory_space<hbm>>) target(%arg9 : memref<112x128xf32, #tpu.memory_space<vmem>>) offsets(%dma_start3A_158 : memref<112xi32, #tpu.memory_space<vmem>>) semaphore(%arg12 : memref<!tpu.dma_semaphore, #tpu.memory_space<semaphore_mem>>)
    } else {
    }
    %jit3A_121 = arith.constant 2 : i32
    %div3A_122 = arith.divsi %mul3A_55, %jit3A_121 : i32
    %sign3A_123 = arith.constant 0 : i32
    %sign3A_124 = arith.cmpi sgt, %mul3A_55, %sign3A_123 : i32
    %sign3A_125 = arith.extui %sign3A_124 : i1 to i32
    %sign3A_126 = arith.constant 0 : i32
    %sign3A_127 = arith.cmpi slt, %mul3A_55, %sign3A_126 : i32
    %sign3A_128 = arith.extui %sign3A_127 : i1 to i32
    %sign3A_129 = arith.subi %sign3A_125, %sign3A_128 : i32
    %sign3A_130 = arith.constant 0 : i32
    %sign3A_131 = arith.cmpi sgt, %jit3A_121, %sign3A_130 : i32
    %sign3A_132 = arith.extui %sign3A_131 : i1 to i32
    %sign3A_133 = arith.constant 0 : i32
    %sign3A_134 = arith.cmpi slt, %jit3A_121, %sign3A_133 : i32
    %sign3A_135 = arith.extui %sign3A_134 : i1 to i32
    %sign3A_136 = arith.subi %sign3A_132, %sign3A_135 : i32
    %ne3A_137 = arith.cmpi ne, %sign3A_129, %sign3A_136 : i32
    %rem3A_138 = arith.remsi %mul3A_55, %jit3A_121 : i32
    %ne3A_139 = arith.constant 0 : i32
    %ne3A_140 = arith.cmpi ne, %rem3A_138, %ne3A_139 : i32
    %and3A_141 = arith.andi %ne3A_137, %ne3A_140 : i1
    %sub3A_142 = arith.constant 1 : i32
    %sub3A_143 = arith.subi %div3A_122, %sub3A_142 : i32
    %select_n3A_144 = arith.select %and3A_141, %sub3A_143, %div3A_122 : i32
    %while3A_145 = arith.constant 0 : i32
    %while3A_146 = arith.constant 0 : i32
    %while3A_147 = arith.subi %select_n3A_144, %while3A_145 : i32
    %while3A_148 = arith.addi %while3A_145, %while3A_147 : i32
    %while3A_149 = arith.constant 1 : i32
    %while3A_150 = arith.divsi %while3A_147, %while3A_149 : i32
    %while3A_151 = arith.muli %while3A_150, %while3A_149 : i32
    %while3A_152 = arith.addi %while3A_145, %while3A_151 : i32
    %while3A_153 = arith.constant 1 : i32
    %while3A_154 = scf.for %while3A_158 = %while3A_145 to %while3A_152 step %while3A_153 iter_args(%while3A_159 = %while3A_146) -> (i32)  : i32 {
      %mul3A_160 = arith.constant 2 : i32
      %mul3A_161 = arith.muli %while3A_158, %mul3A_160 : i32
      %add3A_162 = arith.constant 0 : i32
      %add3A_163 = arith.addi %mul3A_161, %add3A_162 : i32
      %mul3A_164 = arith.constant 112 : i32
      %mul3A_165 = arith.muli %add3A_163, %mul3A_164 : i32
      %dma_wait3A = tpu.memref_slice %arg6[%mul3A_165] : memref<20176xi32, #tpu.memory_space<vmem>> -> memref<112xi32, #tpu.memory_space<vmem>>
      %dma_wait3A_166 = arith.constant 0 : i32
      %dma_wait3A_167 = arith.constant 0 : i32
      %dma_wait3A_168 = tpu.memref_slice %arg2[%dma_wait3A_166, %dma_wait3A_167] : memref<10000x128xf32, #tpu.memory_space<hbm>> -> memref<10000x128xf32, #tpu.memory_space<hbm>>
      tpu.wait_indirect_dma semaphore(%arg11 : memref<!tpu.dma_semaphore, #tpu.memory_space<semaphore_mem>>) src(%dma_wait3A_168 : memref<10000x128xf32, #tpu.memory_space<hbm>>) dst(%arg8 : memref<112x128xf32, #tpu.memory_space<vmem>>)
      %mul3A_169 = arith.constant 112 : i32
      %mul3A_170 = arith.muli %add3A_163, %mul3A_169 : i32
      "tpu.region"() ({
        %run_scoped3A = tpu.sem_alloc : memref<!tpu.dma_semaphore, #tpu.memory_space<semaphore_mem>>
        %dma_start3A = tpu.memref_slice %arg7[%mul3A_170] : memref<20176xi32, #tpu.memory_space<vmem>> -> memref<112xi32, #tpu.memory_space<vmem>>
        %dma_start3A_193 = arith.constant 0 : i32
        %dma_start3A_194 = arith.constant 0 : i32
        %dma_start3A_195 = tpu.memref_slice %arg10[%dma_start3A_193, %dma_start3A_194] : memref<5120x128xf32, #tpu.memory_space<vmem_shared>> -> memref<5120x128xf32, #tpu.memory_space<vmem_shared>>
        tpu.enqueue_indirect_dma source(%arg8 : memref<112x128xf32, #tpu.memory_space<vmem>>) target(%dma_start3A_195 : memref<5120x128xf32, #tpu.memory_space<vmem_shared>>) offsets(%dma_start3A : memref<112xi32, #tpu.memory_space<vmem>>) semaphore(%run_scoped3A : memref<!tpu.dma_semaphore, #tpu.memory_space<semaphore_mem>>) {add = true}
        %dma_wait3A_196 = tpu.memref_slice %arg7[%mul3A_170] : memref<20176xi32, #tpu.memory_space<vmem>> -> memref<112xi32, #tpu.memory_space<vmem>>
        %dma_wait3A_197 = arith.constant 0 : i32
        %dma_wait3A_198 = arith.constant 0 : i32
        %dma_wait3A_199 = tpu.memref_slice %arg10[%dma_wait3A_197, %dma_wait3A_198] : memref<5120x128xf32, #tpu.memory_space<vmem_shared>> -> memref<5120x128xf32, #tpu.memory_space<vmem_shared>>
        tpu.wait_indirect_dma semaphore(%run_scoped3A : memref<!tpu.dma_semaphore, #tpu.memory_space<semaphore_mem>>) src(%arg8 : memref<112x128xf32, #tpu.memory_space<vmem>>) dst(%dma_wait3A_199 : memref<5120x128xf32, #tpu.memory_space<vmem_shared>>)
        tpu.yield
      }) : () -> ()
      %add3A_171 = arith.constant 2 : i32
      %add3A_172 = arith.addi %add3A_163, %add3A_171 : i32
      %lt3A = arith.cmpi slt, %add3A_172, %mul3A_55 : i32
      %convert_element_type3A_173 = arith.extui %lt3A : i1 to i32
      %cond3A_174 = arith.constant 0 : i32
      %cond3A_175 = arith.cmpi ne, %convert_element_type3A_173, %cond3A_174 : i32
      scf.if %cond3A_175 {
        %add3A_193 = arith.constant 2 : i32
        %add3A_194 = arith.addi %add3A_163, %add3A_193 : i32
        %mul3A_195 = arith.constant 112 : i32
        %mul3A_196 = arith.muli %add3A_194, %mul3A_195 : i32
        %dma_start3A = tpu.memref_slice %arg6[%mul3A_196] : memref<20176xi32, #tpu.memory_space<vmem>> -> memref<112xi32, #tpu.memory_space<vmem>>
        %dma_start3A_197 = arith.constant 0 : i32
        %dma_start3A_198 = arith.constant 0 : i32
        %dma_start3A_199 = tpu.memref_slice %arg2[%dma_start3A_197, %dma_start3A_198] : memref<10000x128xf32, #tpu.memory_space<hbm>> -> memref<10000x128xf32, #tpu.memory_space<hbm>>
        tpu.enqueue_indirect_dma source(%dma_start3A_199 : memref<10000x128xf32, #tpu.memory_space<hbm>>) target(%arg8 : memref<112x128xf32, #tpu.memory_space<vmem>>) offsets(%dma_start3A : memref<112xi32, #tpu.memory_space<vmem>>) semaphore(%arg11 : memref<!tpu.dma_semaphore, #tpu.memory_space<semaphore_mem>>)
      } else {
      }
      %add3A_176 = arith.constant 1 : i32
      %add3A_177 = arith.addi %mul3A_161, %add3A_176 : i32
      %mul3A_178 = arith.constant 112 : i32
      %mul3A_179 = arith.muli %add3A_177, %mul3A_178 : i32
      %dma_wait3A_180 = tpu.memref_slice %arg6[%mul3A_179] : memref<20176xi32, #tpu.memory_space<vmem>> -> memref<112xi32, #tpu.memory_space<vmem>>
      %dma_wait3A_181 = arith.constant 0 : i32
      %dma_wait3A_182 = arith.constant 0 : i32
      %dma_wait3A_183 = tpu.memref_slice %arg2[%dma_wait3A_181, %dma_wait3A_182] : memref<10000x128xf32, #tpu.memory_space<hbm>> -> memref<10000x128xf32, #tpu.memory_space<hbm>>
      tpu.wait_indirect_dma semaphore(%arg12 : memref<!tpu.dma_semaphore, #tpu.memory_space<semaphore_mem>>) src(%dma_wait3A_183 : memref<10000x128xf32, #tpu.memory_space<hbm>>) dst(%arg9 : memref<112x128xf32, #tpu.memory_space<vmem>>)
      %mul3A_184 = arith.constant 112 : i32
      %mul3A_185 = arith.muli %add3A_177, %mul3A_184 : i32
      "tpu.region"() ({
        %run_scoped3A = tpu.sem_alloc : memref<!tpu.dma_semaphore, #tpu.memory_space<semaphore_mem>>
        %dma_start3A = tpu.memref_slice %arg7[%mul3A_185] : memref<20176xi32, #tpu.memory_space<vmem>> -> memref<112xi32, #tpu.memory_space<vmem>>
        %dma_start3A_193 = arith.constant 0 : i32
        %dma_start3A_194 = arith.constant 0 : i32
        %dma_start3A_195 = tpu.memref_slice %arg10[%dma_start3A_193, %dma_start3A_194] : memref<5120x128xf32, #tpu.memory_space<vmem_shared>> -> memref<5120x128xf32, #tpu.memory_space<vmem_shared>>
        tpu.enqueue_indirect_dma source(%arg9 : memref<112x128xf32, #tpu.memory_space<vmem>>) target(%dma_start3A_195 : memref<5120x128xf32, #tpu.memory_space<vmem_shared>>) offsets(%dma_start3A : memref<112xi32, #tpu.memory_space<vmem>>) semaphore(%run_scoped3A : memref<!tpu.dma_semaphore, #tpu.memory_space<semaphore_mem>>) {add = true}
        %dma_wait3A_196 = tpu.memref_slice %arg7[%mul3A_185] : memref<20176xi32, #tpu.memory_space<vmem>> -> memref<112xi32, #tpu.memory_space<vmem>>
        %dma_wait3A_197 = arith.constant 0 : i32
        %dma_wait3A_198 = arith.constant 0 : i32
        %dma_wait3A_199 = tpu.memref_slice %arg10[%dma_wait3A_197, %dma_wait3A_198] : memref<5120x128xf32, #tpu.memory_space<vmem_shared>> -> memref<5120x128xf32, #tpu.memory_space<vmem_shared>>
        tpu.wait_indirect_dma semaphore(%run_scoped3A : memref<!tpu.dma_semaphore, #tpu.memory_space<semaphore_mem>>) src(%arg9 : memref<112x128xf32, #tpu.memory_space<vmem>>) dst(%dma_wait3A_199 : memref<5120x128xf32, #tpu.memory_space<vmem_shared>>)
        tpu.yield
      }) : () -> ()
      %add3A_186 = arith.constant 2 : i32
      %add3A_187 = arith.addi %add3A_177, %add3A_186 : i32
      %lt3A_188 = arith.cmpi slt, %add3A_187, %mul3A_55 : i32
      %convert_element_type3A_189 = arith.extui %lt3A_188 : i1 to i32
      %cond3A_190 = arith.constant 0 : i32
      %cond3A_191 = arith.cmpi ne, %convert_element_type3A_189, %cond3A_190 : i32
      scf.if %cond3A_191 {
        %add3A_193 = arith.constant 2 : i32
        %add3A_194 = arith.addi %add3A_177, %add3A_193 : i32
        %mul3A_195 = arith.constant 112 : i32
        %mul3A_196 = arith.muli %add3A_194, %mul3A_195 : i32
        %dma_start3A = tpu.memref_slice %arg6[%mul3A_196] : memref<20176xi32, #tpu.memory_space<vmem>> -> memref<112xi32, #tpu.memory_space<vmem>>
        %dma_start3A_197 = arith.constant 0 : i32
        %dma_start3A_198 = arith.constant 0 : i32
        %dma_start3A_199 = tpu.memref_slice %arg2[%dma_start3A_197, %dma_start3A_198] : memref<10000x128xf32, #tpu.memory_space<hbm>> -> memref<10000x128xf32, #tpu.memory_space<hbm>>
        tpu.enqueue_indirect_dma source(%dma_start3A_199 : memref<10000x128xf32, #tpu.memory_space<hbm>>) target(%arg9 : memref<112x128xf32, #tpu.memory_space<vmem>>) offsets(%dma_start3A : memref<112xi32, #tpu.memory_space<vmem>>) semaphore(%arg12 : memref<!tpu.dma_semaphore, #tpu.memory_space<semaphore_mem>>)
      } else {
      }
      %while3A_192 = arith.constant 0 : i32
      scf.yield %while3A_192 : i32
    }
    %while3A_155 = arith.constant 1 : i32
    %while3A_156 = scf.for %while3A_158 = %while3A_152 to %while3A_148 step %while3A_155 iter_args(%while3A_159 = %while3A_154) -> (i32)  : i32 {
      %mul3A_160 = arith.constant 2 : i32
      %mul3A_161 = arith.muli %while3A_158, %mul3A_160 : i32
      %add3A_162 = arith.constant 0 : i32
      %add3A_163 = arith.addi %mul3A_161, %add3A_162 : i32
      %mul3A_164 = arith.constant 112 : i32
      %mul3A_165 = arith.muli %add3A_163, %mul3A_164 : i32
      %dma_wait3A = tpu.memref_slice %arg6[%mul3A_165] : memref<20176xi32, #tpu.memory_space<vmem>> -> memref<112xi32, #tpu.memory_space<vmem>>
      %dma_wait3A_166 = arith.constant 0 : i32
      %dma_wait3A_167 = arith.constant 0 : i32
      %dma_wait3A_168 = tpu.memref_slice %arg2[%dma_wait3A_166, %dma_wait3A_167] : memref<10000x128xf32, #tpu.memory_space<hbm>> -> memref<10000x128xf32, #tpu.memory_space<hbm>>
      tpu.wait_indirect_dma semaphore(%arg11 : memref<!tpu.dma_semaphore, #tpu.memory_space<semaphore_mem>>) src(%dma_wait3A_168 : memref<10000x128xf32, #tpu.memory_space<hbm>>) dst(%arg8 : memref<112x128xf32, #tpu.memory_space<vmem>>)
      %mul3A_169 = arith.constant 112 : i32
      %mul3A_170 = arith.muli %add3A_163, %mul3A_169 : i32
      "tpu.region"() ({
        %run_scoped3A = tpu.sem_alloc : memref<!tpu.dma_semaphore, #tpu.memory_space<semaphore_mem>>
        %dma_start3A = tpu.memref_slice %arg7[%mul3A_170] : memref<20176xi32, #tpu.memory_space<vmem>> -> memref<112xi32, #tpu.memory_space<vmem>>
        %dma_start3A_193 = arith.constant 0 : i32
        %dma_start3A_194 = arith.constant 0 : i32
        %dma_start3A_195 = tpu.memref_slice %arg10[%dma_start3A_193, %dma_start3A_194] : memref<5120x128xf32, #tpu.memory_space<vmem_shared>> -> memref<5120x128xf32, #tpu.memory_space<vmem_shared>>
        tpu.enqueue_indirect_dma source(%arg8 : memref<112x128xf32, #tpu.memory_space<vmem>>) target(%dma_start3A_195 : memref<5120x128xf32, #tpu.memory_space<vmem_shared>>) offsets(%dma_start3A : memref<112xi32, #tpu.memory_space<vmem>>) semaphore(%run_scoped3A : memref<!tpu.dma_semaphore, #tpu.memory_space<semaphore_mem>>) {add = true}
        %dma_wait3A_196 = tpu.memref_slice %arg7[%mul3A_170] : memref<20176xi32, #tpu.memory_space<vmem>> -> memref<112xi32, #tpu.memory_space<vmem>>
        %dma_wait3A_197 = arith.constant 0 : i32
        %dma_wait3A_198 = arith.constant 0 : i32
        %dma_wait3A_199 = tpu.memref_slice %arg10[%dma_wait3A_197, %dma_wait3A_198] : memref<5120x128xf32, #tpu.memory_space<vmem_shared>> -> memref<5120x128xf32, #tpu.memory_space<vmem_shared>>
        tpu.wait_indirect_dma semaphore(%run_scoped3A : memref<!tpu.dma_semaphore, #tpu.memory_space<semaphore_mem>>) src(%arg8 : memref<112x128xf32, #tpu.memory_space<vmem>>) dst(%dma_wait3A_199 : memref<5120x128xf32, #tpu.memory_space<vmem_shared>>)
        tpu.yield
      }) : () -> ()
      %add3A_171 = arith.constant 2 : i32
      %add3A_172 = arith.addi %add3A_163, %add3A_171 : i32
      %lt3A = arith.cmpi slt, %add3A_172, %mul3A_55 : i32
      %convert_element_type3A_173 = arith.extui %lt3A : i1 to i32
      %cond3A_174 = arith.constant 0 : i32
      %cond3A_175 = arith.cmpi ne, %convert_element_type3A_173, %cond3A_174 : i32
      scf.if %cond3A_175 {
        %add3A_193 = arith.constant 2 : i32
        %add3A_194 = arith.addi %add3A_163, %add3A_193 : i32
        %mul3A_195 = arith.constant 112 : i32
        %mul3A_196 = arith.muli %add3A_194, %mul3A_195 : i32
        %dma_start3A = tpu.memref_slice %arg6[%mul3A_196] : memref<20176xi32, #tpu.memory_space<vmem>> -> memref<112xi32, #tpu.memory_space<vmem>>
        %dma_start3A_197 = arith.constant 0 : i32
        %dma_start3A_198 = arith.constant 0 : i32
        %dma_start3A_199 = tpu.memref_slice %arg2[%dma_start3A_197, %dma_start3A_198] : memref<10000x128xf32, #tpu.memory_space<hbm>> -> memref<10000x128xf32, #tpu.memory_space<hbm>>
        tpu.enqueue_indirect_dma source(%dma_start3A_199 : memref<10000x128xf32, #tpu.memory_space<hbm>>) target(%arg8 : memref<112x128xf32, #tpu.memory_space<vmem>>) offsets(%dma_start3A : memref<112xi32, #tpu.memory_space<vmem>>) semaphore(%arg11 : memref<!tpu.dma_semaphore, #tpu.memory_space<semaphore_mem>>)
      } else {
      }
      %add3A_176 = arith.constant 1 : i32
      %add3A_177 = arith.addi %mul3A_161, %add3A_176 : i32
      %mul3A_178 = arith.constant 112 : i32
      %mul3A_179 = arith.muli %add3A_177, %mul3A_178 : i32
      %dma_wait3A_180 = tpu.memref_slice %arg6[%mul3A_179] : memref<20176xi32, #tpu.memory_space<vmem>> -> memref<112xi32, #tpu.memory_space<vmem>>
      %dma_wait3A_181 = arith.constant 0 : i32
      %dma_wait3A_182 = arith.constant 0 : i32
      %dma_wait3A_183 = tpu.memref_slice %arg2[%dma_wait3A_181, %dma_wait3A_182] : memref<10000x128xf32, #tpu.memory_space<hbm>> -> memref<10000x128xf32, #tpu.memory_space<hbm>>
      tpu.wait_indirect_dma semaphore(%arg12 : memref<!tpu.dma_semaphore, #tpu.memory_space<semaphore_mem>>) src(%dma_wait3A_183 : memref<10000x128xf32, #tpu.memory_space<hbm>>) dst(%arg9 : memref<112x128xf32, #tpu.memory_space<vmem>>)
      %mul3A_184 = arith.constant 112 : i32
      %mul3A_185 = arith.muli %add3A_177, %mul3A_184 : i32
      "tpu.region"() ({
        %run_scoped3A = tpu.sem_alloc : memref<!tpu.dma_semaphore, #tpu.memory_space<semaphore_mem>>
        %dma_start3A = tpu.memref_slice %arg7[%mul3A_185] : memref<20176xi32, #tpu.memory_space<vmem>> -> memref<112xi32, #tpu.memory_space<vmem>>
        %dma_start3A_193 = arith.constant 0 : i32
        %dma_start3A_194 = arith.constant 0 : i32
        %dma_start3A_195 = tpu.memref_slice %arg10[%dma_start3A_193, %dma_start3A_194] : memref<5120x128xf32, #tpu.memory_space<vmem_shared>> -> memref<5120x128xf32, #tpu.memory_space<vmem_shared>>
        tpu.enqueue_indirect_dma source(%arg9 : memref<112x128xf32, #tpu.memory_space<vmem>>) target(%dma_start3A_195 : memref<5120x128xf32, #tpu.memory_space<vmem_shared>>) offsets(%dma_start3A : memref<112xi32, #tpu.memory_space<vmem>>) semaphore(%run_scoped3A : memref<!tpu.dma_semaphore, #tpu.memory_space<semaphore_mem>>) {add = true}
        %dma_wait3A_196 = tpu.memref_slice %arg7[%mul3A_185] : memref<20176xi32, #tpu.memory_space<vmem>> -> memref<112xi32, #tpu.memory_space<vmem>>
        %dma_wait3A_197 = arith.constant 0 : i32
        %dma_wait3A_198 = arith.constant 0 : i32
        %dma_wait3A_199 = tpu.memref_slice %arg10[%dma_wait3A_197, %dma_wait3A_198] : memref<5120x128xf32, #tpu.memory_space<vmem_shared>> -> memref<5120x128xf32, #tpu.memory_space<vmem_shared>>
        tpu.wait_indirect_dma semaphore(%run_scoped3A : memref<!tpu.dma_semaphore, #tpu.memory_space<semaphore_mem>>) src(%arg9 : memref<112x128xf32, #tpu.memory_space<vmem>>) dst(%dma_wait3A_199 : memref<5120x128xf32, #tpu.memory_space<vmem_shared>>)
        tpu.yield
      }) : () -> ()
      %add3A_186 = arith.constant 2 : i32
      %add3A_187 = arith.addi %add3A_177, %add3A_186 : i32
      %lt3A_188 = arith.cmpi slt, %add3A_187, %mul3A_55 : i32
      %convert_element_type3A_189 = arith.extui %lt3A_188 : i1 to i32
      %cond3A_190 = arith.constant 0 : i32
      %cond3A_191 = arith.cmpi ne, %convert_element_type3A_189, %cond3A_190 : i32
      scf.if %cond3A_191 {
        %add3A_193 = arith.constant 2 : i32
        %add3A_194 = arith.addi %add3A_177, %add3A_193 : i32
        %mul3A_195 = arith.constant 112 : i32
        %mul3A_196 = arith.muli %add3A_194, %mul3A_195 : i32
        %dma_start3A = tpu.memref_slice %arg6[%mul3A_196] : memref<20176xi32, #tpu.memory_space<vmem>> -> memref<112xi32, #tpu.memory_space<vmem>>
        %dma_start3A_197 = arith.constant 0 : i32
        %dma_start3A_198 = arith.constant 0 : i32
        %dma_start3A_199 = tpu.memref_slice %arg2[%dma_start3A_197, %dma_start3A_198] : memref<10000x128xf32, #tpu.memory_space<hbm>> -> memref<10000x128xf32, #tpu.memory_space<hbm>>
        tpu.enqueue_indirect_dma source(%dma_start3A_199 : memref<10000x128xf32, #tpu.memory_space<hbm>>) target(%arg9 : memref<112x128xf32, #tpu.memory_space<vmem>>) offsets(%dma_start3A : memref<112xi32, #tpu.memory_space<vmem>>) semaphore(%arg12 : memref<!tpu.dma_semaphore, #tpu.memory_space<semaphore_mem>>)
      } else {
      }
      %while3A_192 = arith.constant 0 : i32
      scf.yield %while3A_192 : i32
    }
    %barrier3A_157 = arith.constant 0 : index
    tpu.barrier barrier_id(%barrier3A_157)
    "tpu.region"() ({
      %run_scoped3A = tpu.sem_alloc : memref<!tpu.dma_semaphore, #tpu.memory_space<semaphore_mem>>
      %dma_start3A = arith.constant 0 : i32
      %dma_start3A_158 = tpu.memref_slice %arg5[%arg0, %mul3A_109, %dma_start3A] : memref<2x5120x128xf32, #tpu.memory_space<hbm>> -> memref<1x320x128xf32, #tpu.memory_space<hbm>>
      %dma_start3A_159 = tpu.memref_squeeze %dma_start3A_158 : memref<1x320x128xf32, #tpu.memory_space<hbm>> -> memref<320x128xf32, #tpu.memory_space<hbm>>
      %dma_start3A_160 = arith.constant 0 : i32
      %dma_start3A_161 = tpu.memref_slice %arg10[%mul3A_109, %dma_start3A_160] : memref<5120x128xf32, #tpu.memory_space<vmem_shared>> -> memref<320x128xf32, #tpu.memory_space<vmem_shared>>
      tpu.enqueue_dma source(%dma_start3A_161 : memref<320x128xf32, #tpu.memory_space<vmem_shared>>) target(%dma_start3A_159 : memref<320x128xf32, #tpu.memory_space<hbm>>) target_semaphore(%run_scoped3A : memref<!tpu.dma_semaphore, #tpu.memory_space<semaphore_mem>>)
      %dma_wait3A = arith.constant 0 : i32
      %dma_wait3A_162 = tpu.memref_slice %arg5[%arg0, %mul3A_109, %dma_wait3A] : memref<2x5120x128xf32, #tpu.memory_space<hbm>> -> memref<1x320x128xf32, #tpu.memory_space<hbm>>
      %dma_wait3A_163 = tpu.memref_squeeze %dma_wait3A_162 : memref<1x320x128xf32, #tpu.memory_space<hbm>> -> memref<320x128xf32, #tpu.memory_space<hbm>>
      %dma_wait3A_164 = arith.constant 0 : i32
      %dma_wait3A_165 = tpu.memref_slice %arg10[%mul3A_109, %dma_wait3A_164] : memref<5120x128xf32, #tpu.memory_space<vmem_shared>> -> memref<320x128xf32, #tpu.memory_space<vmem_shared>>
      tpu.wait_dma2 semaphore(%run_scoped3A : memref<!tpu.dma_semaphore, #tpu.memory_space<semaphore_mem>>) src(%dma_wait3A_165 : memref<320x128xf32, #tpu.memory_space<vmem_shared>>) dst(%dma_wait3A_163 : memref<320x128xf32, #tpu.memory_space<hbm>>)
      tpu.yield
    }) : () -> ()
    return
  }
}

module attributes {stable_mosaic.version = 14 : i64} {
  func.func @_mm_body(%arg0: i32, %arg1: memref<1000x128xf32, #tpu.memory_space<vmem>>, %arg2: memref<128x128xf32, #tpu.memory_space<vmem>>, %arg3: memref<1000x128xf32, #tpu.memory_space<vmem>>) attributes {dimension_semantics = [#tpu.dimension_semantics<arbitrary>], iteration_bounds = array<i64: 10>, scalar_prefetch = 0 : i64, scratch_operands = 0 : i64, tpu.core_type = #tpu.core_type<tc>, window_params = [{transform_indices = @transform_0, window_bounds = array<i64: 1000, 128>}, {pipeline_mode = #tpu.pipeline_mode<synchronous>, transform_indices = @transform_1, window_bounds = array<i64: 128, 128>}, {transform_indices = @transform_2, window_bounds = array<i64: 1000, 128>}]} {
    %get3A = arith.constant 0 : index
    %get3A_0 = arith.constant 0 : index
    %get3A_1 = vector.load %arg1[%get3A, %get3A_0] : memref<1000x128xf32, #tpu.memory_space<vmem>>, vector<1000x128xf32>
    %get3A_2 = arith.constant 0 : index
    %get3A_3 = arith.constant 0 : index
    %get3A_4 = vector.load %arg2[%get3A_2, %get3A_3] : memref<128x128xf32, #tpu.memory_space<vmem>>, vector<128x128xf32>
    %dot_general3A = arith.constant dense<0.000000e+00> : vector<1000x128xf32>
    %dot_general3A_5 = tpu.matmul %get3A_1, %get3A_4, %dot_general3A {dimension_numbers = #tpu.dot_dimension_numbers<[1], [1], [0], [0], [0, 0, 1, 0], [], []>, transpose_lhs_hint = false} : vector<1000x128xf32>, vector<128x128xf32>, vector<1000x128xf32> -> vector<1000x128xf32>
    %swap3A = arith.constant 0 : index
    %swap3A_6 = arith.constant 0 : index
    %swap3A_7 = vector.load %arg3[%swap3A, %swap3A_6] : memref<1000x128xf32, #tpu.memory_space<vmem>>, vector<1000x128xf32>
    tpu.vector_store %arg3[%swap3A, %swap3A_6], %dot_general3A_5 {strides = array<i32>} : memref<1000x128xf32, #tpu.memory_space<vmem>>, vector<1000x128xf32>,
    return
  }
  func.func @transform_0(%arg0: i32) -> (i32, i32) {
    %c0_i32 = arith.constant 0 : i32
    %c0_i32_0 = arith.constant 0 : i32
    return %arg0, %c0_i32 : i32, i32
  }
  func.func @transform_1(%arg0: i32) -> (i32, i32) {
    %c0_i32 = arith.constant 0 : i32
    %c0_i32_0 = arith.constant 0 : i32
    %c0_i32_1 = arith.constant 0 : i32
    return %c0_i32, %c0_i32_0 : i32, i32
  }
  func.func @transform_2(%arg0: i32) -> (i32, i32) {
    %c0_i32 = arith.constant 0 : i32
    %c0_i32_0 = arith.constant 0 : i32
    return %arg0, %c0_i32 : i32, i32
  }
}

module attributes {stable_mosaic.version = 14 : i64} {
  func.func @_dis_body(%arg0: memref<32x80x128xf32, #tpu.memory_space<vmem>>, %arg1: memref<80x128xf32, #tpu.memory_space<vmem>>) attributes {dimension_semantics = [], scalar_prefetch = 0 : i64, scratch_operands = 0 : i64, tpu.core_type = #tpu.core_type<tc>} {
    %get3A = arith.constant 0 : index
    %get3A_0 = arith.constant 0 : index
    %get3A_1 = arith.constant 0 : index
    %get3A_2 = vector.load %arg0[%get3A, %get3A_0, %get3A_1] : memref<32x80x128xf32, #tpu.memory_space<vmem>>, vector<32x80x128xf32>
    %reduce_sum3A = arith.constant dense<0.000000e+00> : vector<80x128xf32>
    %reduce_sum3A_3 = vector.multi_reduction <add>, %get3A_2, %reduce_sum3A [0] : vector<32x80x128xf32> to vector<80x128xf32>
    %add3A = arith.constant 1.000000e+00 : f32
    %add3A_4 = vector.broadcast %add3A : f32 to vector<80x128xf32>
    %add3A_5 = arith.addf %reduce_sum3A_3, %add3A_4 : vector<80x128xf32>
    %rsqrt3A = math.rsqrt %add3A_5 : vector<80x128xf32>
    %swap3A = arith.constant 0 : index
    %swap3A_6 = arith.constant 0 : index
    %swap3A_7 = vector.load %arg1[%swap3A, %swap3A_6] : memref<80x128xf32, #tpu.memory_space<vmem>>, vector<80x128xf32>
    tpu.vector_store %arg1[%swap3A, %swap3A_6], %rsqrt3A {strides = array<i32>} : memref<80x128xf32, #tpu.memory_space<vmem>>, vector<80x128xf32>,
    return
  }
}

module attributes {stable_mosaic.version = 14 : i64} {
  func.func @_scale_body(%arg0: i32, %arg1: memref<1000x128xf32, #tpu.memory_space<vmem>>, %arg2: memref<1000x1xf32, #tpu.memory_space<vmem>>, %arg3: memref<1000x128xf32, #tpu.memory_space<vmem>>) attributes {dimension_semantics = [#tpu.dimension_semantics<arbitrary>], iteration_bounds = array<i64: 10>, scalar_prefetch = 0 : i64, scratch_operands = 0 : i64, tpu.core_type = #tpu.core_type<tc>, window_params = [{transform_indices = @transform_0, window_bounds = array<i64: 1000, 128>}, {transform_indices = @transform_1, window_bounds = array<i64: 1000, 1>}, {transform_indices = @transform_2, window_bounds = array<i64: 1000, 128>}]} {
    %get3A = arith.constant 0 : index
    %get3A_0 = arith.constant 0 : index
    %get3A_1 = vector.load %arg1[%get3A, %get3A_0] : memref<1000x128xf32, #tpu.memory_space<vmem>>, vector<1000x128xf32>
    %get3A_2 = arith.constant 0 : index
    %get3A_3 = arith.constant 0 : index
    %get3A_4 = vector.load %arg2[%get3A_2, %get3A_3] : memref<1000x1xf32, #tpu.memory_space<vmem>>, vector<1000x1xf32>
    %mul3A = vector.broadcast %get3A_4 : vector<1000x1xf32> to vector<1000x128xf32>
    %mul3A_5 = arith.mulf %get3A_1, %mul3A : vector<1000x128xf32>
    %swap3A = arith.constant 0 : index
    %swap3A_6 = arith.constant 0 : index
    %swap3A_7 = vector.load %arg3[%swap3A, %swap3A_6] : memref<1000x128xf32, #tpu.memory_space<vmem>>, vector<1000x128xf32>
    tpu.vector_store %arg3[%swap3A, %swap3A_6], %mul3A_5 {strides = array<i32>} : memref<1000x128xf32, #tpu.memory_space<vmem>>, vector<1000x128xf32>,
    return
  }
  func.func @transform_0(%arg0: i32) -> (i32, i32) {
    %c0_i32 = arith.constant 0 : i32
    %c0_i32_0 = arith.constant 0 : i32
    return %arg0, %c0_i32 : i32, i32
  }
  func.func @transform_1(%arg0: i32) -> (i32, i32) {
    %c0_i32 = arith.constant 0 : i32
    %c0_i32_0 = arith.constant 0 : i32
    return %arg0, %c0_i32 : i32, i32
  }
  func.func @transform_2(%arg0: i32) -> (i32, i32) {
    %c0_i32 = arith.constant 0 : i32
    %c0_i32_0 = arith.constant 0 : i32
    return %arg0, %c0_i32 : i32, i32
  }
}

module attributes {stable_mosaic.version = 14 : i64} {
  func.func @_mid_body(%arg0: i32, %arg1: memref<1x1000x128xf32, #tpu.memory_space<vmem>>, %arg2: memref<1000x128xf32, #tpu.memory_space<vmem>>, %arg3: memref<1000x1xf32, #tpu.memory_space<vmem>>, %arg4: memref<1x128xf32, #tpu.memory_space<vmem>>, %arg5: memref<128x128xf32, #tpu.memory_space<vmem>>, %arg6: memref<1000x128xf32, #tpu.memory_space<vmem>>) attributes {dimension_semantics = [#tpu.dimension_semantics<arbitrary>], iteration_bounds = array<i64: 10>, scalar_prefetch = 0 : i64, scratch_operands = 0 : i64, tpu.core_type = #tpu.core_type<tc>, window_params = [{transform_indices = @transform_0, window_bounds = array<i64: 1, 1000, 128>}, {transform_indices = @transform_1, window_bounds = array<i64: 1000, 128>}, {transform_indices = @transform_2, window_bounds = array<i64: 1000, 1>}, {pipeline_mode = #tpu.pipeline_mode<synchronous>, transform_indices = @transform_3, window_bounds = array<i64: 1, 128>}, {pipeline_mode = #tpu.pipeline_mode<synchronous>, transform_indices = @transform_4, window_bounds = array<i64: 128, 128>}, {transform_indices = @transform_5, window_bounds = array<i64: 1000, 128>}]} {
    %get3A = arith.constant 0 : index
    %get3A_0 = arith.constant 0 : index
    %get3A_1 = vector.load %arg3[%get3A, %get3A_0] : memref<1000x1xf32, #tpu.memory_space<vmem>>, vector<1000x1xf32>
    %get3A_2 = arith.constant 0 : index
    %get3A_3 = arith.constant 0 : index
    %get3A_4 = arith.constant 0 : index
    %get3A_5 = vector.load %arg1[%get3A_2, %get3A_3, %get3A_4] : memref<1x1000x128xf32, #tpu.memory_space<vmem>>, vector<1x1000x128xf32>
    %get3A_6 = vector.shape_cast %get3A_5 : vector<1x1000x128xf32> to vector<1000x128xf32>
    %get3A_7 = arith.constant 0 : index
    %get3A_8 = arith.constant 0 : index
    %get3A_9 = vector.load %arg2[%get3A_7, %get3A_8] : memref<1000x128xf32, #tpu.memory_space<vmem>>, vector<1000x128xf32>
    %add3A = arith.addf %get3A_6, %get3A_9 : vector<1000x128xf32>
    %mul3A = vector.broadcast %get3A_1 : vector<1000x1xf32> to vector<1000x128xf32>
    %mul3A_10 = arith.mulf %mul3A, %add3A : vector<1000x128xf32>
    %get3A_11 = arith.constant 0 : index
    %get3A_12 = arith.constant 0 : index
    %get3A_13 = vector.load %arg4[%get3A_11, %get3A_12] : memref<1x128xf32, #tpu.memory_space<vmem>>, vector<1x128xf32>
    %add3A_14 = vector.broadcast %get3A_13 : vector<1x128xf32> to vector<1000x128xf32>
    %add3A_15 = arith.addf %mul3A_10, %add3A_14 : vector<1000x128xf32>
    %get3A_16 = arith.constant 0 : index
    %get3A_17 = arith.constant 0 : index
    %get3A_18 = vector.load %arg5[%get3A_16, %get3A_17] : memref<128x128xf32, #tpu.memory_space<vmem>>, vector<128x128xf32>
    %dot_general3A = arith.constant dense<0.000000e+00> : vector<1000x128xf32>
    %dot_general3A_19 = tpu.matmul %add3A_15, %get3A_18, %dot_general3A {dimension_numbers = #tpu.dot_dimension_numbers<[1], [1], [0], [0], [0, 0, 1, 0], [], []>, transpose_lhs_hint = false} : vector<1000x128xf32>, vector<128x128xf32>, vector<1000x128xf32> -> vector<1000x128xf32>
    %get3A_20 = arith.constant 0 : index
    %get3A_21 = arith.constant 0 : index
    %get3A_22 = vector.load %arg3[%get3A_20, %get3A_21] : memref<1000x1xf32, #tpu.memory_space<vmem>>, vector<1000x1xf32>
    %mul3A_23 = vector.broadcast %get3A_22 : vector<1000x1xf32> to vector<1000x128xf32>
    %mul3A_24 = arith.mulf %dot_general3A_19, %mul3A_23 : vector<1000x128xf32>
    %swap3A = arith.constant 0 : index
    %swap3A_25 = arith.constant 0 : index
    %swap3A_26 = vector.load %arg6[%swap3A, %swap3A_25] : memref<1000x128xf32, #tpu.memory_space<vmem>>, vector<1000x128xf32>
    tpu.vector_store %arg6[%swap3A, %swap3A_25], %mul3A_24 {strides = array<i32>} : memref<1000x128xf32, #tpu.memory_space<vmem>>, vector<1000x128xf32>,
    return
  }
  func.func @transform_0(%arg0: i32) -> (i32, i32, i32) {
    %jit3A = arith.constant 5 : i32
    %div3A = arith.divsi %arg0, %jit3A : i32
    %sign3A = arith.constant 0 : i32
    %sign3A_0 = arith.cmpi sgt, %arg0, %sign3A : i32
    %sign3A_1 = arith.extui %sign3A_0 : i1 to i32
    %sign3A_2 = arith.constant 0 : i32
    %sign3A_3 = arith.cmpi slt, %arg0, %sign3A_2 : i32
    %sign3A_4 = arith.extui %sign3A_3 : i1 to i32
    %sign3A_5 = arith.subi %sign3A_1, %sign3A_4 : i32
    %sign3A_6 = arith.constant 0 : i32
    %sign3A_7 = arith.cmpi sgt, %jit3A, %sign3A_6 : i32
    %sign3A_8 = arith.extui %sign3A_7 : i1 to i32
    %sign3A_9 = arith.constant 0 : i32
    %sign3A_10 = arith.cmpi slt, %jit3A, %sign3A_9 : i32
    %sign3A_11 = arith.extui %sign3A_10 : i1 to i32
    %sign3A_12 = arith.subi %sign3A_8, %sign3A_11 : i32
    %ne3A = arith.cmpi ne, %sign3A_5, %sign3A_12 : i32
    %rem3A = arith.remsi %arg0, %jit3A : i32
    %ne3A_13 = arith.constant 0 : i32
    %ne3A_14 = arith.cmpi ne, %rem3A, %ne3A_13 : i32
    %and3A = arith.andi %ne3A, %ne3A_14 : i1
    %sub3A = arith.constant 1 : i32
    %sub3A_15 = arith.subi %div3A, %sub3A : i32
    %select_n3A = arith.select %and3A, %sub3A_15, %div3A : i32
    %jit3A_16 = arith.constant 5 : i32
    %eq3A = arith.constant 0 : i32
    %eq3A_17 = arith.cmpi eq, %jit3A_16, %eq3A : i32
    %jit3A_18 = arith.constant 1 : i32
    %select_n3A_19 = arith.select %eq3A_17, %jit3A_18, %jit3A_16 : i32
    %rem3A_20 = arith.remsi %arg0, %select_n3A_19 : i32
    %ne3A_21 = arith.constant 0 : i32
    %ne3A_22 = arith.cmpi ne, %rem3A_20, %ne3A_21 : i32
    %lt3A = arith.constant 0 : i32
    %lt3A_23 = arith.cmpi slt, %rem3A_20, %lt3A : i32
    %lt3A_24 = arith.constant 0 : i32
    %lt3A_25 = arith.cmpi slt, %select_n3A_19, %lt3A_24 : i32
    %ne3A_26 = arith.xori %lt3A_23, %lt3A_25 : i1
    %and3A_27 = arith.andi %ne3A_26, %ne3A_22 : i1
    %add3A = arith.addi %rem3A_20, %select_n3A_19 : i32
    %select_n3A_28 = arith.select %and3A_27, %add3A, %rem3A_20 : i32
    %c0_i32 = arith.constant 0 : i32
    %c0_i32_29 = arith.constant 0 : i32
    return %select_n3A, %select_n3A_28, %c0_i32 : i32, i32, i32
  }
  func.func @transform_1(%arg0: i32) -> (i32, i32) {
    %c0_i32 = arith.constant 0 : i32
    %c0_i32_0 = arith.constant 0 : i32
    return %arg0, %c0_i32 : i32, i32
  }
  func.func @transform_2(%arg0: i32) -> (i32, i32) {
    %c0_i32 = arith.constant 0 : i32
    %c0_i32_0 = arith.constant 0 : i32
    return %arg0, %c0_i32 : i32, i32
  }
  func.func @transform_3(%arg0: i32) -> (i32, i32) {
    %c0_i32 = arith.constant 0 : i32
    %c0_i32_0 = arith.constant 0 : i32
    %c0_i32_1 = arith.constant 0 : i32
    return %c0_i32, %c0_i32_0 : i32, i32
  }
  func.func @transform_4(%arg0: i32) -> (i32, i32) {
    %c0_i32 = arith.constant 0 : i32
    %c0_i32_0 = arith.constant 0 : i32
    %c0_i32_1 = arith.constant 0 : i32
    return %c0_i32, %c0_i32_0 : i32, i32
  }
  func.func @transform_5(%arg0: i32) -> (i32, i32) {
    %c0_i32 = arith.constant 0 : i32
    %c0_i32_0 = arith.constant 0 : i32
    return %arg0, %c0_i32 : i32, i32
  }
}

module attributes {stable_mosaic.version = 14 : i64} {
  func.func @_fin_body(%arg0: i32, %arg1: memref<1x1000x128xf32, #tpu.memory_space<vmem>>, %arg2: memref<1000x128xf32, #tpu.memory_space<vmem>>, %arg3: memref<1000x1xf32, #tpu.memory_space<vmem>>, %arg4: memref<1x128xf32, #tpu.memory_space<vmem>>, %arg5: memref<1000x128xf32, #tpu.memory_space<vmem>>) attributes {dimension_semantics = [#tpu.dimension_semantics<arbitrary>], iteration_bounds = array<i64: 10>, scalar_prefetch = 0 : i64, scratch_operands = 0 : i64, tpu.core_type = #tpu.core_type<tc>, window_params = [{transform_indices = @transform_0, window_bounds = array<i64: 1, 1000, 128>}, {transform_indices = @transform_1, window_bounds = array<i64: 1000, 128>}, {transform_indices = @transform_2, window_bounds = array<i64: 1000, 1>}, {pipeline_mode = #tpu.pipeline_mode<synchronous>, transform_indices = @transform_3, window_bounds = array<i64: 1, 128>}, {transform_indices = @transform_4, window_bounds = array<i64: 1000, 128>}]} {
    %get3A = arith.constant 0 : index
    %get3A_0 = arith.constant 0 : index
    %get3A_1 = vector.load %arg3[%get3A, %get3A_0] : memref<1000x1xf32, #tpu.memory_space<vmem>>, vector<1000x1xf32>
    %get3A_2 = arith.constant 0 : index
    %get3A_3 = arith.constant 0 : index
    %get3A_4 = arith.constant 0 : index
    %get3A_5 = vector.load %arg1[%get3A_2, %get3A_3, %get3A_4] : memref<1x1000x128xf32, #tpu.memory_space<vmem>>, vector<1x1000x128xf32>
    %get3A_6 = vector.shape_cast %get3A_5 : vector<1x1000x128xf32> to vector<1000x128xf32>
    %get3A_7 = arith.constant 0 : index
    %get3A_8 = arith.constant 0 : index
    %get3A_9 = vector.load %arg2[%get3A_7, %get3A_8] : memref<1000x128xf32, #tpu.memory_space<vmem>>, vector<1000x128xf32>
    %add3A = arith.addf %get3A_6, %get3A_9 : vector<1000x128xf32>
    %mul3A = vector.broadcast %get3A_1 : vector<1000x1xf32> to vector<1000x128xf32>
    %mul3A_10 = arith.mulf %mul3A, %add3A : vector<1000x128xf32>
    %get3A_11 = arith.constant 0 : index
    %get3A_12 = arith.constant 0 : index
    %get3A_13 = vector.load %arg4[%get3A_11, %get3A_12] : memref<1x128xf32, #tpu.memory_space<vmem>>, vector<1x128xf32>
    %add3A_14 = vector.broadcast %get3A_13 : vector<1x128xf32> to vector<1000x128xf32>
    %add3A_15 = arith.addf %mul3A_10, %add3A_14 : vector<1000x128xf32>
    %swap3A = arith.constant 0 : index
    %swap3A_16 = arith.constant 0 : index
    %swap3A_17 = vector.load %arg5[%swap3A, %swap3A_16] : memref<1000x128xf32, #tpu.memory_space<vmem>>, vector<1000x128xf32>
    tpu.vector_store %arg5[%swap3A, %swap3A_16], %add3A_15 {strides = array<i32>} : memref<1000x128xf32, #tpu.memory_space<vmem>>, vector<1000x128xf32>,
    return
  }
  func.func @transform_0(%arg0: i32) -> (i32, i32, i32) {
    %jit3A = arith.constant 5 : i32
    %div3A = arith.divsi %arg0, %jit3A : i32
    %sign3A = arith.constant 0 : i32
    %sign3A_0 = arith.cmpi sgt, %arg0, %sign3A : i32
    %sign3A_1 = arith.extui %sign3A_0 : i1 to i32
    %sign3A_2 = arith.constant 0 : i32
    %sign3A_3 = arith.cmpi slt, %arg0, %sign3A_2 : i32
    %sign3A_4 = arith.extui %sign3A_3 : i1 to i32
    %sign3A_5 = arith.subi %sign3A_1, %sign3A_4 : i32
    %sign3A_6 = arith.constant 0 : i32
    %sign3A_7 = arith.cmpi sgt, %jit3A, %sign3A_6 : i32
    %sign3A_8 = arith.extui %sign3A_7 : i1 to i32
    %sign3A_9 = arith.constant 0 : i32
    %sign3A_10 = arith.cmpi slt, %jit3A, %sign3A_9 : i32
    %sign3A_11 = arith.extui %sign3A_10 : i1 to i32
    %sign3A_12 = arith.subi %sign3A_8, %sign3A_11 : i32
    %ne3A = arith.cmpi ne, %sign3A_5, %sign3A_12 : i32
    %rem3A = arith.remsi %arg0, %jit3A : i32
    %ne3A_13 = arith.constant 0 : i32
    %ne3A_14 = arith.cmpi ne, %rem3A, %ne3A_13 : i32
    %and3A = arith.andi %ne3A, %ne3A_14 : i1
    %sub3A = arith.constant 1 : i32
    %sub3A_15 = arith.subi %div3A, %sub3A : i32
    %select_n3A = arith.select %and3A, %sub3A_15, %div3A : i32
    %jit3A_16 = arith.constant 5 : i32
    %eq3A = arith.constant 0 : i32
    %eq3A_17 = arith.cmpi eq, %jit3A_16, %eq3A : i32
    %jit3A_18 = arith.constant 1 : i32
    %select_n3A_19 = arith.select %eq3A_17, %jit3A_18, %jit3A_16 : i32
    %rem3A_20 = arith.remsi %arg0, %select_n3A_19 : i32
    %ne3A_21 = arith.constant 0 : i32
    %ne3A_22 = arith.cmpi ne, %rem3A_20, %ne3A_21 : i32
    %lt3A = arith.constant 0 : i32
    %lt3A_23 = arith.cmpi slt, %rem3A_20, %lt3A : i32
    %lt3A_24 = arith.constant 0 : i32
    %lt3A_25 = arith.cmpi slt, %select_n3A_19, %lt3A_24 : i32
    %ne3A_26 = arith.xori %lt3A_23, %lt3A_25 : i1
    %and3A_27 = arith.andi %ne3A_26, %ne3A_22 : i1
    %add3A = arith.addi %rem3A_20, %select_n3A_19 : i32
    %select_n3A_28 = arith.select %and3A_27, %add3A, %rem3A_20 : i32
    %c0_i32 = arith.constant 0 : i32
    %c0_i32_29 = arith.constant 0 : i32
    return %select_n3A, %select_n3A_28, %c0_i32 : i32, i32, i32
  }
  func.func @transform_1(%arg0: i32) -> (i32, i32) {
    %c0_i32 = arith.constant 0 : i32
    %c0_i32_0 = arith.constant 0 : i32
    return %arg0, %c0_i32 : i32, i32
  }
  func.func @transform_2(%arg0: i32) -> (i32, i32) {
    %c0_i32 = arith.constant 0 : i32
    %c0_i32_0 = arith.constant 0 : i32
    return %arg0, %c0_i32 : i32, i32
  }
  func.func @transform_3(%arg0: i32) -> (i32, i32) {
    %c0_i32 = arith.constant 0 : i32
    %c0_i32_0 = arith.constant 0 : i32
    %c0_i32_1 = arith.constant 0 : i32
    return %c0_i32, %c0_i32_0 : i32, i32
  }
  func.func @transform_4(%arg0: i32) -> (i32, i32) {
    %c0_i32 = arith.constant 0 : i32
    %c0_i32_0 = arith.constant 0 : i32
    return %arg0, %c0_i32 : i32, i32
  }
}

</mosaic_0001>

<sc_bundles>
// kernel: kernel.10.cloned.1.call-start
scs
__scs_entry_jumppad:
0x0: {  	(pc) =	sbr.rel $0x88, $3  }
0x1: {  	(tag) =	ssettag $0x0;
	lr =	simm.s32 $0x1  }
0x2: {  	[smem:$0x3F9D] =	sst lr;
	_ =	strace $0xD0000000  }
0x3: {  	_ = 	snop  }
0x4: {  	_ = 	snop  }
0x5: {  	_ = 	snop  }
0x6: {  	_ = 	snop  }
0x7: {  	_ = 	snop  }
__scs_overlays_trampoline_lowered:
0x8: {  	[smem:$0x3FAC] =	sst s0  }
0x9: {  	[smem:$0x3FAD] =	sst s1  }
0xa: {  	[smem:$0x3FAE] =	sst s2  }
0xb: {  	[smem:$0x3FAF] =	sst s3  }
0xc: {  	[smem:$0x3FB0] =	sst s4  }
0xd: {  	[smem:$0x3FB1] =	sst s5  }
0xe: {  	[smem:$0x3FB2] =	sst s6  }
0xf: {  	[smem:$0x3FB3] =	sst s7  }
0x10: {  	[smem:$0x3FB4] =	sst s8  }
0x11: {  	[smem:$0x3FB5] =	sst s9;
	s0 =	simm.s32 @!p0 $0x0  }
0x12: {  	s1 =	sld [smem:$0x3F9B];
	s0 =	simm.s32 @p0 $0x1  }
0x13: {  	[smem:$0x3FB6] =	sst s0;
	s0 =	simm.s32 @!p1 $0x0  }
0x14: {  	s2 =	sld [smem:$0x3F9A];
	s0 =	simm.s32 @p1 $0x1  }
0x15: {  	[smem:$0x3FB7] =	sst s0;
	s0 =	simm.s32 @!p2 $0x0  }
0x16: {  	s3 =	sld [smem:$0x3FDB];
	s0 =	simm.s32 @p2 $0x1  }
0x17: {  	s4 =	simm.s32 $0x1BF5;
	[smem:$0x3FB9] =	sst s0  }
0x18: {  	s0 =	sld [smem:$0x3F9C];
	_ =	swait.ge [sflag:s4], $0x0  }
0x19: {  	s7 =	sld [smem:$0x3F9D]  }
0x1a: {  	s8 =	sadd.s32 $0xFFFFE003, lr  }
0x1b: {  	s9 =	sadd.s32 $0xFFFFFEF7, lr;
	s5 =	simm.s32 $0xFFFFFFFF;
	p2 =	slt.u32 s8, $0xFFFFF086  }
0x1c: {  	p1 =	slt.u32 s9, $0xF7A;
	s5 =	simm.s32 @!p2 $0x0  }
0x1d: {  	s5 =	simm.s32 @p1 $0x1;
	p0 =	seq.s32 s7, s2  }
0x1e: {  	s7 =	smul.u32 @!p0 $0xF7A, s2;
	p2 =	seq.s32 @!p0 s5, $0x0  }
0x1f: {  	s9 =	smul.u32 $0xF7A, s1;
	s8 =	simm.s32 @!p0 $0x1BF5;
	p2 =	por !p2, p0  }
0x20: {  	[sflag:s8] =	ssyncset.s32 @!p0 $0xFFFFF086;
	s6 =	sadd.s32 @!p0 s3, s7;
	s7 =	simm.s32 @!p0 $0x108  }
0x21: {  	s3 =	sadd.s32 s3, s9;
	s6 =	sadd.s32 @!p0 $0x88, s6;
	s7 =	simm.s32 @p2 $0x1082  }
0x22: {  	[simem:s7], [sflag:s8] =	dma.local @!p0 [hbm:s6], $0xF7A  }
0x23: {  	s9 =	sor.u32 $0xD0000000, s2;
	s6 =	simm.s32 $0x108;
	_ =	swait.ge @!p0 [sflag:s8], $0x0  }
0x24: {  	s3 =	sadd.s32 $0x88, s3;
	s6 =	simm.s32 @!p1 $0x1082;
	[sflag:s4] =	ssyncset.s32 $0xFFFFF086  }
0x25: {  	[simem:s6], [sflag:s4] =	dma.local [hbm:s3], $0xF7A  }
0x26: {  	[smem:$0x3F9D] =	sst s1;
	(tag) =	ssettag s2;
	_ =	strace s9  }
0x27: {  	s1 =	sld [smem:$0x3FAD]  }
0x28: {  	s2 =	sld [smem:$0x3FAE]  }
0x29: {  	s4 =	sld [smem:$0x3FB0]  }
0x2a: {  	p0 =	seq.s32 s5, $0x0;
	s5 =	sld [smem:$0x3FB1]  }
0x2b: {  	s6 =	sld [smem:$0x3FB2]  }
0x2c: {  	s7 =	sld [smem:$0x3FB3]  }
0x2d: {  	s3 =	simm.s32 $0x108;
	s8 =	sld [smem:$0x3FB4]  }
0x2e: {  	s3 =	simm.s32 @!p0 $0x1082;
	s9 =	sld [smem:$0x3FB5]  }
0x2f: {  	lr =	sadd.s32 s0, s3;
	s0 =	sld [smem:$0x3FAC]  }
0x30: {  	s3 =	sld [smem:$0x3FAF]  }
0x31: {  	[smem:$0x3FB8] =	sst s10  }
0x32: {  	s10 =	sld [smem:$0x3FB6];
	_ =	sdelay $0x3  }
0x33: {  	p0 =	seq.s32 s10, $0x1;
	s10 =	sld [smem:$0x3FB8];
	_ =	sdelay $0x3  }
0x34: {  	[smem:$0x3FB8] =	sst s10  }
0x35: {  	s10 =	sld [smem:$0x3FB7];
	_ =	sdelay $0x3  }
0x36: {  	p1 =	seq.s32 s10, $0x1;
	s10 =	sld [smem:$0x3FB8];
	_ =	sdelay $0x3  }
0x37: {  	[smem:$0x3FB8] =	sst s10  }
0x38: {  	s10 =	sld [smem:$0x3FB9]  }
0x39: {  	_ = 	snop;
	(pc) =	sbr.ind lr, $3  }
0x3a: {  	_ = 	snop  }
0x3b: {  	_ = 	snop  }
0x3c: {  	p2 =	seq.s32 s10, $0x1;
	s10 =	sld [smem:$0x3FB8]  }
0x3d: {  	_ =	shalt  }
0x3e: {  	_ =	shalt  }
0x3f: {  	_ =	shalt  }
0x40: {  	_ =	shalt  }
0x41: {  	_ =	shalt  }
0x42: {  	_ =	shalt  }
0x43: {  	_ =	shalt  }
0x44: {  	_ =	shalt  }
0x45: {  	_ =	shalt  }
0x46: {  	_ =	shalt  }
0x47: {  	_ =	shalt  }
0x48: {  	_ =	shalt  }
0x49: {  	_ =	shalt  }
0x4a: {  	_ =	shalt  }
0x4b: {  	_ =	shalt  }
0x4c: {  	_ =	shalt  }
0x4d: {  	_ =	shalt  }
0x4e: {  	_ =	shalt  }
0x4f: {  	_ =	shalt  }
0x50: {  	_ =	shalt  }
0x51: {  	_ =	shalt  }
0x52: {  	_ =	shalt  }
0x53: {  	_ =	shalt  }
0x54: {  	_ =	shalt  }
0x55: {  	_ =	shalt  }
0x56: {  	_ =	shalt  }
0x57: {  	_ =	shalt  }
0x58: {  	_ =	shalt  }
0x59: {  	_ =	shalt  }
0x5a: {  	_ =	shalt  }
0x5b: {  	_ =	shalt  }
0x5c: {  	_ =	shalt  }
0x5d: {  	_ =	shalt  }
0x5e: {  	_ =	shalt  }
0x5f: {  	_ =	shalt  }
0x60: {  	_ =	shalt  }
0x61: {  	_ =	shalt  }
0x62: {  	_ =	shalt  }
0x63: {  	_ =	shalt  }
0x64: {  	_ =	shalt  }
0x65: {  	_ =	shalt  }
0x66: {  	_ =	shalt  }
0x67: {  	_ =	shalt  }
0x68: {  	_ =	shalt  }
0x69: {  	_ =	shalt  }
0x6a: {  	_ =	shalt  }
0x6b: {  	_ =	shalt  }
0x6c: {  	_ =	shalt  }
0x6d: {  	_ =	shalt  }
0x6e: {  	_ =	shalt  }
0x6f: {  	_ =	shalt  }
0x70: {  	_ =	shalt  }
0x71: {  	_ =	shalt  }
0x72: {  	_ =	shalt  }
0x73: {  	_ =	shalt  }
0x74: {  	_ =	shalt  }
0x75: {  	_ =	shalt  }
0x76: {  	_ =	shalt  }
0x77: {  	_ =	shalt  }
0x78: {  	_ =	shalt  }
0x79: {  	_ =	shalt  }
0x7a: {  	_ =	shalt  }
0x7b: {  	_ =	shalt  }
0x7c: {  	_ =	shalt  }
0x7d: {  	_ =	shalt  }
0x7e: {  	_ =	shalt  }
0x7f: {  	_ =	shalt  }
0x80: {  	_ =	shalt  }
0x81: {  	_ =	shalt  }
0x82: {  	_ =	shalt  }
0x83: {  	_ =	shalt  }
0x84: {  	_ =	shalt  }
0x85: {  	_ =	shalt  }
0x86: {  	_ =	shalt  }
0x87: {  	_ =	shalt  }
.Lfunc_end0:
.L_simem_size_0:
called_computation_lowered:
.L_overlay_start_0:
0x88: {  	s2 =	sld [smem:$0x3FD9]  }
0x89: {  	s3 =	sld [smem:$0x3FFE];
	_ =	sdelay $0x1  }
0x8a: {  	s1 =	srdreg.scid  }
0x8b: {  	s0 =	sand.u32 $0x1, s1  }
0x8c: {  	s17 =	sshll.u32 s0, $0xA;
	s2 =	sadd.s32 s3, s2  }
0x8d: {  	s2 =	sadd.s32 s2, s17  }
0x8e: {  	[smem:$0x3FC4] =	sst s2  }
0x8f: {  	_ = 	snop  }
0x90: {  	s2 =	sld [smem:$0x3FD0];
	(tm) =	ssettm $0x1  }
0x91: {  	s18 =	sld [smem:$0x3FFB];
	_ =	sdelay $0x3  }
0x92: {  	_ =	strace s18  }
0x93: {  	s3 =	sld [smem:$0x3FFC];
	_ =	sdelay $0x3  }
0x94: {  	_ =	strace s3  }
0x95: {  	s3 =	sld [smem:$0x3FFD];
	_ =	sdelay $0x3  }
0x96: {  	_ =	strace s3  }
0x97: {  	_ =	strace $0x8FFFFFFF  }
0x98: {  	s19 =	sld [smem:$0x3FDB];
	_ =	sdelay $0x1  }
0x99: {  	s4 =	simm.s32 $_scs_section_size  }
0x9a: {  	s5 =	simm.s32 $_size__tile_overlayer_lowered;
	s6 =	simm.s32 $_tile_overlayer_lowered  }
0x9b: {  	s22 =	simm.s32 $0x1BFF;
	s21 =	sshll.u32 s6, $0x1;
	s3 =	sadd.s32 s4, s19  }
0x9c: {  	s7 =	simm.s32 $0x0;
	s20 =	sshll.u32 s5, $0x1;
	s5 =	sadd.s32 s21, s3  }
0x9d: {  	[timem:s7], [sflag:s22] =	dma.local [hbm:s5], s20  }
0x9e: {  	_ =	swait.ge [sflag:s22], s20  }
0x9f: {  	s4 =	ssub.s32 $0x0, s20;
	[sflag:s22] =	ssyncset.done $0x0  }
0xa0: {  	[sflag:s22] =	ssyncadd.s32 s4;
	_ =	sdelay $0x1  }
0xa1: {  	s23 =	simm.s32 $0x1B8B  }
0xa2: {  	_ =	swait.ge [sflag:s23], $0x1  }
0xa3: {  	[sflag:s23] =	ssyncset.done $0x0  }
0xa4: {  	s25 =	simm.s32 $0x1B8E;
	s24 =	sld [smem:$0x3FFE];
	[sflag:s23] =	ssyncadd.s32 $0xFFFFFFFF  }
0xa5: {  	s26 =	simm.s32 $execute0_lowered;
	[smem:$0x3FD2] =	sst s25  }
0xa6: {  	s5 =	sshll.u32 s26, $0x1;
	_ =	strace $0x80000046;
	[dreg:$0x1] =	wrdreg $0xFFFFFFFF  }
0xa7: {  	s28 =	simm.s32 $_size_execute0_lowered;
	s3 =	sadd.s32 s3, s5;
	[dreg:$0x0] =	wrdreg $0x0  }
0xa8: {  	s5 =	sshll.u32 s28, $0x1;
	[dreg:$0x2] =	wrdreg s3  }
0xa9: {  	[dreg:$0x3] =	wrdreg s5  }
0xaa: {  	[dreg:$0x4] =	wrdreg $0xC0  }
0xab: {  	_ =	task [dreg:s7], $0x5FFFF  }
0xac: {  	[dreg:$0x1] =	wrdreg $0xFFFFFFFF  }
0xad: {  	[dreg:$0x0] =	wrdreg $0x60  }
0xae: {  	[dreg:$0x2] =	wrdreg s2  }
0xaf: {  	[dreg:$0x3] =	wrdreg s24  }
0xb0: {  	[dreg:$0x4] =	wrdreg $0x9  }
0xb1: {  	_ =	task.clear_ibuf [dreg:s7], $0x5FFFF;
	_ =	strace $0x90000046  }
0xb2: {  	s29 =	simm.s32 $0x9;
	_ =	strace $0x80000048  }
0xb3: {  	_ =	swait.ge [sflag:s29], $0x1  }
0xb4: {  	[sflag:s29] =	ssyncadd.s32 $0xFFFFFFFF  }
0xb5: {  	_ =	strace $0x90000048  }
0xb6: {  	_ =	sfence  }
0xb7: {  	s30 =	sld [smem:$0x0];
	_ =	sdelay $0x2  }
0xb8: {  	s31 =	sshll.u32 s1, $0xD;
	s1 =	sshrl.u32 s1, $0x2  }
0xb9: {  	s3 =	sand.u32 $0x4000, s31;
	s1 =	sadd.s32 s1, s30  }
0xba: {  	s0 =	sor.u32 s3, s0;
	s1 =	sshll.u32 s1, $0x11  }
0xbb: {  	s0 =	sor.u32 s1, s0  }
0xbc: {  	s0 =	sadd.s32 $0x8F2B, s0  }
0xbd: {  	[sflag:s0] =	ssyncadd.remote.s32 $0x1  }
0xbe: {  	_ =	sfence.sel $0xFFFF  }
0xbf: {  	[dreg:$0x0] =	wrdreg $0xFFFFFFFF;
	(pc) =	sbr.abs _section_cstart, $3  }
0xc0: {  	[dreg:$0x1] =	wrdreg $0xFFFFFFFF  }
0xc1: {  	_ =	task.clear_ibuf [dreg:s7], $0x2FFFF;
	_ =	strace $0x9FFFFFFF  }
0xc2: {  	(tm) =	ssettm $0x7FFFFFFF  }
0xc3: {  	_ =	shalt  }
tec
execute0_lowered:
.L_overlay_start_1:
0x0: {  	(tag) =	ssettag $0x1  }
0x1: {  	s4 =	rddreg [dreg:$0x0]  }
0x2: {  	s0 =	srdreg.scid;
	s5 =	rddreg [dreg:$0x1]  }
0x3: {  	s2 =	simm.s32 $0x0;
	s10 =	simm.s32 $0x200;
	s3 =	sand.u32 $0x1, s0  }
0x4: {  	s11 =	simm.s32 $0x1;
	s0 =	stileid.u32;
	s1 =	sshll.u32 s3, $0x4  }
0x5: {  	s12 =	simm.s32 $0xA00;
	s13 =	simm.s32 $0x400;
	s6 =	sor.u32 s0, s1  }
0x6: {  	[smem:$0x7FF] =	sst s2;
	s7 =	sshrl.u32 s6, $0x3;
	s6 =	smul.u32 $0x500, s6  }
0x7: {  	s8 =	sshll.u32 s0, $0x7;
	s31 =	ssub.s32 $0x2, s3;
	s7 =	smul.u32 $0x14000, s7  }
0x8: {  	s1 =	rddreg [dreg:$0x2];
	s8 =	sand.u32 $0x380, s8;
	_ =	strace $0x80000047  }
0x9: {  	s9 =	sshrl.u32 s31, $0x1;
	s3 =	sadd.s32 s4, s6;
	s7 =	sor.u32 s8, s7  }
0xa: {  	s8 =	ssub.s32 s31, s9;
	s4 =	sadd.s32 $0x10, s3;
	s7 =	sshrl.u32 s7, $0x3  }
0xb: {  	s6 =	sadd.s32 $0x30, s3;
	s9 =	simm.s32 $0x80;
	s7 =	sadd.s32 s7, s5  }
0xc: {  	v0 =	vimm.f32 $0.0e+00;
	v1 =	vimm.f32 $1.000000000e+00;
	s8 =	smax.u32 s8, $0x1;
	s5 =	sadd.s32 $0x20, s3;
	s7 =	sadd.s32 $0x1C00, s7  }
.LBB2_1:
0xd: {  	s14 =	simm.s32 $0x40;
	s15 =	simm.s32 $0x0  }
.LBB2_2:
0xe: {  	p0 =	sne.s32 s14, $0x9FC0;
	[tilespmem:s15+$0xA00] =	vst v0;
	s15 =	smov.u32 s14;
	s14 =	sadd.s32 $0x40, s14  }
.Ltmp0:
0xf: {  	(pc) =	sbr.rel @p0 .LBB2_2-.Ltmp0, $2  }
0x10: {  	_ =	sdelay $0x2  }
0x11: {  	s15 =	sshra.s32 s15, $0x2  }
0x12: {  	[tilespmem:s15+$0xA00] =	vst v0;
	s14 =	simm.s32 $0x0  }
0x13: {  	[tilespmem:s14], [sflag:$0x1] =	stream.strided.gather [hbm4b:s3+s9], $0xA00, s10, s9, $0x38;
	[tilespmem:$0x3200] =	vst v63  }
0x14: {  	_ =	swait.ge [sflag:s11], $0xA00  }
0x15: {  	[sflag:s11] =	ssyncset.done $0x0  }
0x16: {  	s15 =	simm.s32 $0x0;
	s14 =	simm.s32 $0x40;
	[sflag:s11] =	ssyncadd.s32 $0xFFFFF600  }
.LBB2_4:
0x17: {  	p0 =	sne.s32 s14, $0x26C0;
	v2 =	vld [tilespmem:s15+$0x0];
	_ =	sdelay $0x3  }
.Ltmp1:
0x18: {  	(pc) =	sbr.rel @p0 .LBB2_4-.Ltmp1, $2  }
0x19: {  	_ =	sdelay $0x2  }
0x1a: {  	s15 =	sshra.s32 s14, $0x2;
	s14 =	sadd.s32 $0x40, s14;
	[tilespmem:v2+s12+$0x0] =	vst.idx.add.f32.msk $0xffff, v1  }
0x1b: {  	v2 =	vld [tilespmem:s15+$0x0];
	_ =	sdelay $0x7  }
0x1c: {  	s14 =	simm.s32 $0x0;
	[tilespmem:v2+s12+$0x0] =	vst.idx.add.f32.msk $0xffff, v1  }
0x1d: {  	[tilespmem:s14], [sflag:$0x1] =	stream.strided.gather [hbm4b:s4+s9], $0xA00, s10, s9, $0x38;
	[tilespmem:$0x3200] =	vst v63  }
0x1e: {  	_ =	swait.ge [sflag:s11], $0xA00  }
0x1f: {  	[sflag:s11] =	ssyncset.done $0x0  }
0x20: {  	s15 =	simm.s32 $0x0;
	s14 =	simm.s32 $0x40;
	[sflag:s11] =	ssyncadd.s32 $0xFFFFF600  }
.LBB2_6:
0x21: {  	p0 =	sne.s32 s14, $0x26C0;
	v2 =	vld [tilespmem:s15+$0x0];
	_ =	sdelay $0x3  }
.Ltmp2:
0x22: {  	(pc) =	sbr.rel @p0 .LBB2_6-.Ltmp2, $2  }
0x23: {  	_ =	sdelay $0x2  }
0x24: {  	s15 =	sshra.s32 s14, $0x2;
	s14 =	sadd.s32 $0x40, s14;
	[tilespmem:v2+s12+$0x0] =	vst.idx.add.f32.msk $0xffff, v1  }
0x25: {  	v2 =	vld [tilespmem:s15+$0x0];
	_ =	sdelay $0x7  }
0x26: {  	s14 =	simm.s32 $0x0;
	[tilespmem:v2+s12+$0x0] =	vst.idx.add.f32.msk $0xffff, v1  }
0x27: {  	[tilespmem:s14], [sflag:$0x1] =	stream.strided.gather [hbm4b:s5+s9], $0xA00, s10, s9, $0x38;
	[tilespmem:$0x3200] =	vst v63  }
0x28: {  	_ =	swait.ge [sflag:s11], $0xA00  }
0x29: {  	[sflag:s11] =	ssyncset.done $0x0  }
0x2a: {  	s15 =	simm.s32 $0x0;
	s14 =	simm.s32 $0x40;
	[sflag:s11] =	ssyncadd.s32 $0xFFFFF600  }
.LBB2_8:
0x2b: {  	p0 =	sne.s32 s14, $0x26C0;
	v2 =	vld [tilespmem:s15+$0x0];
	_ =	sdelay $0x3  }
.Ltmp3:
0x2c: {  	(pc) =	sbr.rel @p0 .LBB2_8-.Ltmp3, $2  }
0x2d: {  	_ =	sdelay $0x2  }
0x2e: {  	s15 =	sshra.s32 s14, $0x2;
	s14 =	sadd.s32 $0x40, s14;
	[tilespmem:v2+s12+$0x0] =	vst.idx.add.f32.msk $0xffff, v1  }
0x2f: {  	v2 =	vld [tilespmem:s15+$0x0];
	_ =	sdelay $0x7  }
0x30: {  	s14 =	simm.s32 $0x0;
	[tilespmem:v2+s12+$0x0] =	vst.idx.add.f32.msk $0xffff, v1  }
0x31: {  	[tilespmem:s14], [sflag:$0x1] =	stream.strided.gather [hbm4b:s6+s9], $0xA00, s10, s9, $0x38;
	[tilespmem:$0x3200] =	vst v63  }
0x32: {  	_ =	swait.ge [sflag:s11], $0xA00  }
0x33: {  	[sflag:s11] =	ssyncset.done $0x0  }
0x34: {  	s15 =	simm.s32 $0x0;
	s14 =	simm.s32 $0x40;
	[sflag:s11] =	ssyncadd.s32 $0xFFFFF600  }
.LBB2_10:
0x35: {  	p0 =	sne.s32 s14, $0x26C0;
	v2 =	vld [tilespmem:s15+$0x0];
	_ =	sdelay $0x3  }
.Ltmp4:
0x36: {  	(pc) =	sbr.rel @p0 .LBB2_10-.Ltmp4, $2  }
0x37: {  	_ =	sdelay $0x2  }
0x38: {  	s15 =	sshra.s32 s14, $0x2;
	s14 =	sadd.s32 $0x40, s14;
	[tilespmem:v2+s12+$0x0] =	vst.idx.add.f32.msk $0xffff, v1  }
0x39: {  	v2 =	vld [tilespmem:s15+$0x0];
	_ =	sdelay $0x5  }
0x3a: {  	s2 =	sadd.s32 $0x1, s2  }
0x3b: {  	p0 =	sne.s32 s2, s8  }
.Ltmp5:
0x3c: {  	[tilespmem:v2+s12+$0x0] =	vst.idx.add.f32.msk $0xffff, v1;
	(pc) =	sbr.rel @p0 .LBB2_1-.Ltmp5, $4  }
0x3d: {  	[hbm4b:s7+s9] =	stream.strided.scatter [tilespmem:s12], [sflag:$0x1], $0x2800, s13, s9, $0x38;
	[tilespmem:$0x3200] =	vst v63  }
0x3e: {  	_ =	swait.ge [sflag:s11], $0x2800  }
0x3f: {  	[sflag:s11] =	ssyncset.done $0x0  }
0x40: {  	[sflag:s11] =	ssyncadd.s32 $0xFFFFD800  }
0x41: {  	_ =	sfence.sel $0x180000  }
0x42: {  	[bflag:$0x0] =	sbarrier.arrive $0xFFFF  }
0x43: {  	p0 =	sne.s32 s0, $0x0;
	_ =	strace $0x90000047  }
0x44: {  	s0 =	sadd.s32 @!p0 $0x100000, s1;
	[bflag:$0x2] =	sbarrier.arrive $0xFFFF  }
0x45: {  	[sflag:s0] =	ssyncadd.tile.s32 @!p0 $0x1;
	_ =	shalt  }
.Lfunc_end2:
_tile_overlayer_lowered:
.L_overlay_start_2:
0x46: {  	(tag) =	ssettag $0x2  }
0x47: {  	s0 =	rddreg [dreg:$0x0];
	s2 =	stileid.u32  }
0x48: {  	s1 =	rddreg [dreg:$0x1];
	p0 =	sne.s32 s2, $0x0  }
0x49: {  	s3 =	rddreg [dreg:$0x2];
	[bflag:$0x3] =	sbarrier.arrive $0xFFFF;
	s2 =	simm.s32 @!p0 $0x1C01  }
0x4a: {  	[timem:s3], [sflag:s2] =	dma.local @!p0 [hbm:s0], s1  }
0x4b: {  	s0 =	simm.s32 @!p0 $0x1  }
0x4c: {  	_ =	swait.ge @!p0 [sflag:s0], s1  }
0x4d: {  	s1 =	ssub.s32 @!p0 $0x0, s1;
	[sflag:s0] =	ssyncset.done @!p0 $0x0  }
0x4e: {  	[sflag:s0] =	ssyncadd.s32 @!p0 s1  }
0x4f: {  	[bflag:$0x3] =	sbarrier.arrive $0xFFFF  }
0x50: {  	_ =	shalt  }

// kernel: kernel.13.cloned.1.call-start
scs
__scs_entry_jumppad:
0x0: {  	(pc) =	sbr.rel $0x88, $3  }
0x1: {  	(tag) =	ssettag $0x0;
	lr =	simm.s32 $0x1  }
0x2: {  	[smem:$0x3F9D] =	sst lr;
	_ =	strace $0xD0000000  }
0x3: {  	_ = 	snop  }
0x4: {  	_ = 	snop  }
0x5: {  	_ = 	snop  }
0x6: {  	_ = 	snop  }
0x7: {  	_ = 	snop  }
__scs_overlays_trampoline_lowered:
0x8: {  	[smem:$0x3FAC] =	sst s0  }
0x9: {  	[smem:$0x3FAD] =	sst s1  }
0xa: {  	[smem:$0x3FAE] =	sst s2  }
0xb: {  	[smem:$0x3FAF] =	sst s3  }
0xc: {  	[smem:$0x3FB0] =	sst s4  }
0xd: {  	[smem:$0x3FB1] =	sst s5  }
0xe: {  	[smem:$0x3FB2] =	sst s6  }
0xf: {  	[smem:$0x3FB3] =	sst s7  }
0x10: {  	[smem:$0x3FB4] =	sst s8  }
0x11: {  	[smem:$0x3FB5] =	sst s9;
	s0 =	simm.s32 @!p0 $0x0  }
0x12: {  	s1 =	sld [smem:$0x3F9B];
	s0 =	simm.s32 @p0 $0x1  }
0x13: {  	[smem:$0x3FB6] =	sst s0;
	s0 =	simm.s32 @!p1 $0x0  }
0x14: {  	s2 =	sld [smem:$0x3F9A];
	s0 =	simm.s32 @p1 $0x1  }
0x15: {  	[smem:$0x3FB7] =	sst s0;
	s0 =	simm.s32 @!p2 $0x0  }
0x16: {  	s3 =	sld [smem:$0x3FDB];
	s0 =	simm.s32 @p2 $0x1  }
0x17: {  	s4 =	simm.s32 $0x1BF5;
	[smem:$0x3FB9] =	sst s0  }
0x18: {  	s0 =	sld [smem:$0x3F9C];
	_ =	swait.ge [sflag:s4], $0x0  }
0x19: {  	s7 =	sld [smem:$0x3F9D]  }
0x1a: {  	s8 =	sadd.s32 $0xFFFFE003, lr  }
0x1b: {  	s9 =	sadd.s32 $0xFFFFFEF7, lr;
	s5 =	simm.s32 $0xFFFFFFFF;
	p2 =	slt.u32 s8, $0xFFFFF086  }
0x1c: {  	p1 =	slt.u32 s9, $0xF7A;
	s5 =	simm.s32 @!p2 $0x0  }
0x1d: {  	s5 =	simm.s32 @p1 $0x1;
	p0 =	seq.s32 s7, s2  }
0x1e: {  	s7 =	smul.u32 @!p0 $0xF7A, s2;
	p2 =	seq.s32 @!p0 s5, $0x0  }
0x1f: {  	s9 =	smul.u32 $0xF7A, s1;
	s8 =	simm.s32 @!p0 $0x1BF5;
	p2 =	por !p2, p0  }
0x20: {  	[sflag:s8] =	ssyncset.s32 @!p0 $0xFFFFF086;
	s6 =	sadd.s32 @!p0 s3, s7;
	s7 =	simm.s32 @!p0 $0x108  }
0x21: {  	s3 =	sadd.s32 s3, s9;
	s6 =	sadd.s32 @!p0 $0x88, s6;
	s7 =	simm.s32 @p2 $0x1082  }
0x22: {  	[simem:s7], [sflag:s8] =	dma.local @!p0 [hbm:s6], $0xF7A  }
0x23: {  	s9 =	sor.u32 $0xD0000000, s2;
	s6 =	simm.s32 $0x108;
	_ =	swait.ge @!p0 [sflag:s8], $0x0  }
0x24: {  	s3 =	sadd.s32 $0x88, s3;
	s6 =	simm.s32 @!p1 $0x1082;
	[sflag:s4] =	ssyncset.s32 $0xFFFFF086  }
0x25: {  	[simem:s6], [sflag:s4] =	dma.local [hbm:s3], $0xF7A  }
0x26: {  	[smem:$0x3F9D] =	sst s1;
	(tag) =	ssettag s2;
	_ =	strace s9  }
0x27: {  	s1 =	sld [smem:$0x3FAD]  }
0x28: {  	s2 =	sld [smem:$0x3FAE]  }
0x29: {  	s4 =	sld [smem:$0x3FB0]  }
0x2a: {  	p0 =	seq.s32 s5, $0x0;
	s5 =	sld [smem:$0x3FB1]  }
0x2b: {  	s6 =	sld [smem:$0x3FB2]  }
0x2c: {  	s7 =	sld [smem:$0x3FB3]  }
0x2d: {  	s3 =	simm.s32 $0x108;
	s8 =	sld [smem:$0x3FB4]  }
0x2e: {  	s3 =	simm.s32 @!p0 $0x1082;
	s9 =	sld [smem:$0x3FB5]  }
0x2f: {  	lr =	sadd.s32 s0, s3;
	s0 =	sld [smem:$0x3FAC]  }
0x30: {  	s3 =	sld [smem:$0x3FAF]  }
0x31: {  	[smem:$0x3FB8] =	sst s10  }
0x32: {  	s10 =	sld [smem:$0x3FB6];
	_ =	sdelay $0x3  }
0x33: {  	p0 =	seq.s32 s10, $0x1;
	s10 =	sld [smem:$0x3FB8];
	_ =	sdelay $0x3  }
0x34: {  	[smem:$0x3FB8] =	sst s10  }
0x35: {  	s10 =	sld [smem:$0x3FB7];
	_ =	sdelay $0x3  }
0x36: {  	p1 =	seq.s32 s10, $0x1;
	s10 =	sld [smem:$0x3FB8];
	_ =	sdelay $0x3  }
0x37: {  	[smem:$0x3FB8] =	sst s10  }
0x38: {  	s10 =	sld [smem:$0x3FB9]  }
0x39: {  	_ = 	snop;
	(pc) =	sbr.ind lr, $3  }
0x3a: {  	_ = 	snop  }
0x3b: {  	_ = 	snop  }
0x3c: {  	p2 =	seq.s32 s10, $0x1;
	s10 =	sld [smem:$0x3FB8]  }
0x3d: {  	_ =	shalt  }
0x3e: {  	_ =	shalt  }
0x3f: {  	_ =	shalt  }
0x40: {  	_ =	shalt  }
0x41: {  	_ =	shalt  }
0x42: {  	_ =	shalt  }
0x43: {  	_ =	shalt  }
0x44: {  	_ =	shalt  }
0x45: {  	_ =	shalt  }
0x46: {  	_ =	shalt  }
0x47: {  	_ =	shalt  }
0x48: {  	_ =	shalt  }
0x49: {  	_ =	shalt  }
0x4a: {  	_ =	shalt  }
0x4b: {  	_ =	shalt  }
0x4c: {  	_ =	shalt  }
0x4d: {  	_ =	shalt  }
0x4e: {  	_ =	shalt  }
0x4f: {  	_ =	shalt  }
0x50: {  	_ =	shalt  }
0x51: {  	_ =	shalt  }
0x52: {  	_ =	shalt  }
0x53: {  	_ =	shalt  }
0x54: {  	_ =	shalt  }
0x55: {  	_ =	shalt  }
0x56: {  	_ =	shalt  }
0x57: {  	_ =	shalt  }
0x58: {  	_ =	shalt  }
0x59: {  	_ =	shalt  }
0x5a: {  	_ =	shalt  }
0x5b: {  	_ =	shalt  }
0x5c: {  	_ =	shalt  }
0x5d: {  	_ =	shalt  }
0x5e: {  	_ =	shalt  }
0x5f: {  	_ =	shalt  }
0x60: {  	_ =	shalt  }
0x61: {  	_ =	shalt  }
0x62: {  	_ =	shalt  }
0x63: {  	_ =	shalt  }
0x64: {  	_ =	shalt  }
0x65: {  	_ =	shalt  }
0x66: {  	_ =	shalt  }
0x67: {  	_ =	shalt  }
0x68: {  	_ =	shalt  }
0x69: {  	_ =	shalt  }
0x6a: {  	_ =	shalt  }
0x6b: {  	_ =	shalt  }
0x6c: {  	_ =	shalt  }
0x6d: {  	_ =	shalt  }
0x6e: {  	_ =	shalt  }
0x6f: {  	_ =	shalt  }
0x70: {  	_ =	shalt  }
0x71: {  	_ =	shalt  }
0x72: {  	_ =	shalt  }
0x73: {  	_ =	shalt  }
0x74: {  	_ =	shalt  }
0x75: {  	_ =	shalt  }
0x76: {  	_ =	shalt  }
0x77: {  	_ =	shalt  }
0x78: {  	_ =	shalt  }
0x79: {  	_ =	shalt  }
0x7a: {  	_ =	shalt  }
0x7b: {  	_ =	shalt  }
0x7c: {  	_ =	shalt  }
0x7d: {  	_ =	shalt  }
0x7e: {  	_ =	shalt  }
0x7f: {  	_ =	shalt  }
0x80: {  	_ =	shalt  }
0x81: {  	_ =	shalt  }
0x82: {  	_ =	shalt  }
0x83: {  	_ =	shalt  }
0x84: {  	_ =	shalt  }
0x85: {  	_ =	shalt  }
0x86: {  	_ =	shalt  }
0x87: {  	_ =	shalt  }
.Lfunc_end0:
.L_simem_size_0:
called_computation.1_lowered:
.L_overlay_start_0:
0x88: {  	s2 =	sld [smem:$0x3FD9]  }
0x89: {  	s3 =	sld [smem:$0x3FFE];
	_ =	sdelay $0x1  }
0x8a: {  	s1 =	srdreg.scid  }
0x8b: {  	s0 =	sand.u32 $0x1, s1  }
0x8c: {  	s17 =	sshll.u32 s0, $0xA;
	s2 =	sadd.s32 s3, s2  }
0x8d: {  	s2 =	sadd.s32 s2, s17  }
0x8e: {  	[smem:$0x3FC4] =	sst s2  }
0x8f: {  	_ = 	snop  }
0x90: {  	s2 =	sld [smem:$0x3FD0];
	(tm) =	ssettm $0x1  }
0x91: {  	s18 =	sld [smem:$0x3FFB];
	_ =	sdelay $0x3  }
0x92: {  	_ =	strace s18  }
0x93: {  	s3 =	sld [smem:$0x3FFC];
	_ =	sdelay $0x3  }
0x94: {  	_ =	strace s3  }
0x95: {  	s3 =	sld [smem:$0x3FFD];
	_ =	sdelay $0x3  }
0x96: {  	_ =	strace s3  }
0x97: {  	_ =	strace $0x8FFFFFFF  }
0x98: {  	s19 =	sld [smem:$0x3FDB];
	_ =	sdelay $0x1  }
0x99: {  	s4 =	simm.s32 $_scs_section_size  }
0x9a: {  	s5 =	simm.s32 $_size__tile_overlayer_lowered;
	s6 =	simm.s32 $_tile_overlayer_lowered  }
0x9b: {  	s22 =	simm.s32 $0x1BFF;
	s21 =	sshll.u32 s6, $0x1;
	s3 =	sadd.s32 s4, s19  }
0x9c: {  	s7 =	simm.s32 $0x0;
	s20 =	sshll.u32 s5, $0x1;
	s5 =	sadd.s32 s21, s3  }
0x9d: {  	[timem:s7], [sflag:s22] =	dma.local [hbm:s5], s20  }
0x9e: {  	_ =	swait.ge [sflag:s22], s20  }
0x9f: {  	s4 =	ssub.s32 $0x0, s20;
	[sflag:s22] =	ssyncset.done $0x0  }
0xa0: {  	[sflag:s22] =	ssyncadd.s32 s4;
	_ =	sdelay $0x1  }
0xa1: {  	s23 =	simm.s32 $0x1B8B  }
0xa2: {  	_ =	swait.ge [sflag:s23], $0x1  }
0xa3: {  	[sflag:s23] =	ssyncset.done $0x0  }
0xa4: {  	s25 =	simm.s32 $0x1B8E;
	s24 =	sld [smem:$0x3FFE];
	[sflag:s23] =	ssyncadd.s32 $0xFFFFFFFF  }
0xa5: {  	s26 =	simm.s32 $execute0_lowered;
	[smem:$0x3FD2] =	sst s25  }
0xa6: {  	s5 =	sshll.u32 s26, $0x1;
	_ =	strace $0x80000049;
	[dreg:$0x1] =	wrdreg $0xFFFFFFFF  }
0xa7: {  	s28 =	simm.s32 $_size_execute0_lowered;
	s3 =	sadd.s32 s3, s5;
	[dreg:$0x0] =	wrdreg $0x0  }
0xa8: {  	s5 =	sshll.u32 s28, $0x1;
	[dreg:$0x2] =	wrdreg s3  }
0xa9: {  	[dreg:$0x3] =	wrdreg s5  }
0xaa: {  	[dreg:$0x4] =	wrdreg $0xC0  }
0xab: {  	_ =	task [dreg:s7], $0x5FFFF  }
0xac: {  	[dreg:$0x1] =	wrdreg $0xFFFFFFFF  }
0xad: {  	[dreg:$0x0] =	wrdreg $0x60  }
0xae: {  	[dreg:$0x2] =	wrdreg s2  }
0xaf: {  	[dreg:$0x3] =	wrdreg s24  }
0xb0: {  	[dreg:$0x4] =	wrdreg $0x10E000  }
0xb1: {  	[dreg:$0x5] =	wrdreg $0x9  }
0xb2: {  	_ =	task.clear_ibuf [dreg:s7], $0x6FFFF;
	_ =	strace $0x90000049  }
0xb3: {  	s29 =	simm.s32 $0x9;
	_ =	strace $0x8000004B  }
0xb4: {  	_ =	swait.ge [sflag:s29], $0x1  }
0xb5: {  	[sflag:s29] =	ssyncadd.s32 $0xFFFFFFFF  }
0xb6: {  	_ =	strace $0x9000004B  }
0xb7: {  	_ =	sfence  }
0xb8: {  	s30 =	sld [smem:$0x0];
	_ =	sdelay $0x2  }
0xb9: {  	s31 =	sshll.u32 s1, $0xD;
	s1 =	sshrl.u32 s1, $0x2  }
0xba: {  	s3 =	sand.u32 $0x4000, s31;
	s1 =	sadd.s32 s1, s30  }
0xbb: {  	s0 =	sor.u32 s3, s0;
	s1 =	sshll.u32 s1, $0x11  }
0xbc: {  	s0 =	sor.u32 s1, s0  }
0xbd: {  	s0 =	sadd.s32 $0x8F2B, s0  }
0xbe: {  	[sflag:s0] =	ssyncadd.remote.s32 $0x1  }
0xbf: {  	_ =	sfence.sel $0xFFFF  }
0xc0: {  	[dreg:$0x0] =	wrdreg $0xFFFFFFFF;
	(pc) =	sbr.abs _section_cstart, $3  }
0xc1: {  	[dreg:$0x1] =	wrdreg $0xFFFFFFFF  }
0xc2: {  	_ =	task.clear_ibuf [dreg:s7], $0x2FFFF;
	_ =	strace $0x9FFFFFFF  }
0xc3: {  	(tm) =	ssettm $0x7FFFFFFF  }
tec
execute0_lowered:
.L_overlay_start_1:
0x0: {  	(tag) =	ssettag $0x1  }
0x1: {  	s2 =	rddreg [dreg:$0x0]  }
0x2: {  	s5 =	rddreg [dreg:$0x1]  }
0x3: {  	s0 =	stileid.u32;
	s3 =	rddreg [dreg:$0x2]  }
0x4: {  	s6 =	srdreg.scid;
	s1 =	rddreg [dreg:$0x3]  }
0x5: {  	s13 =	simm.s32 $0x3;
	s14 =	simm.s32 $0x4F00;
	s16 =	simm.s32 $0x9E00  }
0x6: {  	s17 =	simm.s32 $0x70;
	s18 =	simm.s32 $0xD600;
	s10 =	smul.u32 $0xA000, s0  }
0x7: {  	s19 =	simm.s32 $0x2;
	s4 =	sshrl.u32 s0, $0x3;
	s25 =	smul.u32 $0x28000, s0  }
0x8: {  	s20 =	simm.s32 $0x0;
	s8 =	sand.u32 $0x1, s6;
	s7 =	smul.u32 $0x27800, s4  }
0x9: {  	s23 =	sshll.u32 s0, $0x7;
	s4 =	simm.s32 $0x0;
	s9 =	smul.u32 $0xA0000, s8  }
0xa: {  	s6 =	sand.u32 $0x380, s23;
	s29 =	ssub.s32 $0x2, s8;
	s15 =	smul.u32 $0xFFFFEC78, s8  }
0xb: {  	[smem:$0x7FF] =	sst s4;
	s30 =	sshrl.u32 s29, $0x1;
	s31 =	sshrl.u32 s25, $0x2  }
0xc: {  	_ =	strace $0x8000004A;
	s6 =	sor.u32 s6, s7;
	s24 =	sadd.s32 s10, s9  }
.Ltmp0:
0xd: {  	s12 =	ssub.s32 s29, s30;
	v0 =	vmov s15;
	s15 =	simm.s32 $0x1;
	(pc) =	sbr.rel .LBB2_1-.Ltmp0, $4  }
0xe: {  	s6 =	sshrl.u32 s6, $0x3;
	s28 =	sshrl.u32 s24, $0x3;
	s10 =	smax.u32 s12, $0x1  }
0xf: {  	s12 =	simm.s32 $0x400;
	s26 =	sadd.s32 s6, s5;
	s11 =	sadd.s32 s28, s5  }
0x10: {  	s6 =	sadd.s32 s31, s3;
	s5 =	sadd.s32 $0xBC00, s26;
	s7 =	sadd.s32 $0x15A00, s26  }
0x11: {  	v1 =	vimm.s32 $0x0;
	v2 =	vimm.s32 $0x1388;
	v3 =	vimm.f32 $0.0e+00;
	s8 =	sadd.s32 $0x3800, s6;
	s9 =	sadd.s32 $0x1F800, s11;
	s11 =	simm.s32 $0x80  }
.LBB2_11:
0x12: {  	[sflag:s13] =	ssyncadd.s32 $0xFFFFC800;
	s21 =	simm.s32 @!p1 $0xD600  }
0x13: {  	[tilespmem:s21], [sflag:$0x2] =	stream.indirect.gather @!p1 [hbm4b:s2+s28], $0x80, s26, s28, $0xb8;
	[tilespmem:$0x1AE00] =	vst v63  }
.LBB2_12:
0x14: {  	s20 =	sadd.s32 $0x1, s20  }
0x15: {  	s21 =	sshll.u32 s0, $0x6;
	[bflag:$0x0] =	sbarrier.arrive $0xFFFF;
	p0 =	sne.s32 s20, s10  }
.Ltmp1:
0x16: {  	s22 =	sshrl.u32 s6, $0x3;
	s21 =	sor.u32 $0x1C03, s21;
	(pc) =	sbr.rel @!p0 .LBB2_13-.Ltmp1, $4  }
0x17: {  	[hbm:s9], [sflag:s21] =	dma.local [spmem:s22], $0x1400  }
0x18: {  	_ =	swait.ge [sflag:s13], $0x1400  }
0x19: {  	[sflag:s13] =	ssyncset.done $0x0  }
0x1a: {  	[sflag:s13] =	ssyncadd.s32 $0xFFFFEC00  }
.LBB2_1:
0x1b: {  	[tilespmem:s4], [sflag:$0x3] =	stream.strided.gather [hbm4b:s5+s11], $0x4F00, s12, s11, $0x38;
	[tilespmem:$0x1AE00] =	vst v63  }
0x1c: {  	_ =	swait.ge [sflag:s13], $0x4F00  }
0x1d: {  	[sflag:s13] =	ssyncset.done $0x0  }
0x1e: {  	[sflag:s13] =	ssyncadd.s32 $0xFFFFB100  }
0x1f: {  	[tilespmem:s14], [sflag:$0x3] =	stream.strided.gather [hbm4b:s7+s11], $0x4F00, s12, s11, $0x38;
	[tilespmem:$0x1AE00] =	vst v63  }
0x20: {  	_ =	swait.ge [sflag:s13], $0x4F00  }
0x21: {  	[sflag:s13] =	ssyncset.done $0x0  }
0x22: {  	s21 =	simm.s32 $0x0;
	[sflag:s13] =	ssyncadd.s32 $0xFFFFB100  }
0x23: {  	v4 =	vld [tilespmem:s21+$0x4F00];
	_ =	sdelay $0x4  }
0x24: {  	v4 =	vadd.s32 v0, v4  }
0x25: {  	vm0 =	vlt.u32 v4, $0x1388  }
0x26: {  	v5 =	vmpcnt.ones.xlane vm0;
	_ =	sdelay $0x1  }
0x27: {  	v5 =	vxor.u32 $0x80000000, v5  }
0x28: {  	(xrf0) =	vmax.scan.msk.u32 $0xffff, v5  }
0x29: {  	v5 =	vld [tilespmem:s21+$0x0];
	_ =	sdelay $0x4  }
0x2a: {  	[tilespmem:s4+$0x0] =	vst.msk vm0, v5;
	v5, _, _ =	vpop (xrf0)  }
0x2b: {  	(v2sf) =	vpush v5, $0xF  }
0x2c: {  	s23 =	simm.s32 $0x80;
	s22 =	simm.s32 $0x0;
	s21 =	simm.s32 $0x10;
	[tilespmem:s4+$0x4F00] =	vst.msk vm0, v4  }
.LBB2_2:
0x2d: {  	p0 =	sne.s32 s23, $0x13B00;
	v4 =	vld [tilespmem:s21+$0x4F00];
	_ =	sdelay $0x4  }
0x2e: {  	v4 =	vadd.s32 v0, v4  }
0x2f: {  	vm0 =	vlt.u32 v4, $0x1388  }
0x30: {  	v5 =	vmpcnt.ones.xlane vm0;
	_ =	sdelay $0x1  }
0x31: {  	v5 =	vxor.u32 $0x80000000, v5  }
0x32: {  	(xrf0) =	vmax.scan.msk.u32 $0xffff, v5  }
0x33: {  	v5 =	vld [tilespmem:s21+$0x0];
	_ =	sdelay $0x1  }
0x34: {  	s21 =	spop (v2sf)  }
.Ltmp2:
0x35: {  	s21 =	sadd.s32 s21, s22;
	(pc) =	sbr.rel @p0 .LBB2_2-.Ltmp2, $4  }
0x36: {  	s22 =	sadd.s32 $0x80000000, s21  }
0x37: {  	[tilespmem:s22+$0x0] =	vst.msk vm0, v5;
	v5, _, _ =	vpop (xrf0)  }
0x38: {  	[tilespmem:s22+$0x4F00] =	vst.msk vm0, v4;
	(v2sf) =	vpush v5, $0xF  }
0x39: {  	s21 =	sshra.s32 s23, $0x2;
	s23 =	sadd.s32 $0x40, s23  }
0x3a: {  	v4 =	vld [tilespmem:s21+$0x4F00];
	_ =	sdelay $0x4  }
0x3b: {  	v4 =	vadd.s32 v0, v4  }
0x3c: {  	vm0 =	vlt.u32 v4, $0x1388  }
0x3d: {  	v5 =	vmpcnt.ones.xlane vm0;
	_ =	sdelay $0x1  }
0x3e: {  	v5 =	vxor.u32 $0x80000000, v5  }
0x3f: {  	(xrf0) =	vmax.scan.msk.u32 $0xffff, v5;
	_ =	sdelay $0x5  }
0x40: {  	v5, _, _ =	vpop (xrf0)  }
0x41: {  	(v2sf) =	vpush v5, $0xF;
	_ =	sdelay $0xc  }
0x42: {  	s23 =	spop (v2sf)  }
0x43: {  	s22 =	sadd.s32 s23, s22  }
0x44: {  	s23 =	sadd.s32 $0x80000000, s22;
	s24 =	spop (v2sf)  }
0x45: {  	s22 =	sadd.s32 s24, s23  }
0x46: {  	s25 =	sadd.s32 $0x80000000, s22  }
0x47: {  	s22 =	sadd.s32 $0x6F, s25  }
0x48: {  	s26 =	smulhi.u32 $0x92492493, s22;
	s28 =	sshra.s32 s22, $0x1F  }
0x49: {  	s29 =	ssub.s32 $0xFFFFFF91, s25;
	s28 =	smul.u32 $0x92492493, s28  }
0x4a: {  	s26 =	sadd.s32 s29, s26  }
0x4b: {  	s26 =	sadd.s32 s28, s26  }
0x4c: {  	s26 =	sadd.s32 s22, s26  }
0x4d: {  	s30 =	sshrl.u32 s26, $0x1F;
	s26 =	sshra.s32 s26, $0x6  }
0x4e: {  	s26 =	sadd.s32 s30, s26  }
0x4f: {  	s28 =	smul.u32 $0xFFFFFF90, s26;
	_ =	sdelay $0x1  }
0x50: {  	p0 =	slt.s32 s22, $0x1;
	p1 =	sne.s32 s28, s29  }
0x51: {  	p0 =	por !p0, !p1  }
0x52: {  	s22 =	simm.s32 $0x1;
	p0 =	por !p0, !p0  }
0x53: {  	s22 =	simm.s32 @!p0 $0x0  }
0x54: {  	s22 =	ssub.s32 s26, s22  }
0x55: {  	s26 =	sadd.s32 $0x1, s22  }
0x56: {  	s31 =	sand.u32 $0x1, s26  }
0x57: {  	p3 =	slt.s32 s22, $0x0;
	p4 =	seq.s32 s31, $0x1  }
0x58: {  	s29 =	sshrl.u32 s26, $0x1F;
	p0 =	por !p3, !p4  }
0x59: {  	s22 =	sadd.s32 s29, s26;
	s26 =	simm.s32 $0x1;
	p0 =	por !p0, !p0  }
0x5a: {  	s22 =	sshra.s32 s22, $0x1;
	s26 =	simm.s32 @!p0 $0x0  }
0x5b: {  	s22 =	ssub.s32 s22, s26  }
0x5c: {  	s26 =	smul.u32 $0xE0, s22;
	_ =	sdelay $0x1  }
0x5d: {  	s25 =	ssub.s32 s26, s25  }
0x5e: {  	s25 =	sadd.s32 $0xF, s25  }
0x5f: {  	s30 =	sand.u32 $0xF, s25  }
0x60: {  	s31 =	sshra.s32 s25, $0x1F;
	p5 =	slt.s32 s25, $0x1;
	p6 =	sne.s32 s30, $0x0  }
0x61: {  	v5 =	vld [tilespmem:s21+$0x0];
	s21 =	sshrl.u32 s31, $0x1C;
	p0 =	por !p5, !p6  }
0x62: {  	s21 =	sadd.s32 s21, s25;
	s25 =	simm.s32 $0x1;
	p0 =	por !p0, !p0  }
0x63: {  	s21 =	sshra.s32 s21, $0x4;
	s25 =	simm.s32 @!p0 $0x0  }
0x64: {  	s25 =	ssub.s32 s21, s25  }
0x65: {  	p0 =	slt.s32 s25, $0x1  }
.Ltmp3:
0x66: {  	_ = 	snop;
	(pc) =	sbr.rel @p0 .LBB2_6-.Ltmp3, $3  }
0x67: {  	_ =	sdelay $0x1  }
0x68: {  	[tilespmem:s23+$0x0] =	vst.msk vm0, v5  }
0x69: {  	[tilespmem:s23+$0x4F00] =	vst.msk vm0, v4  }
0x6a: {  	p0 =	sne.s32 s25, $0x1  }
.Ltmp4:
0x6b: {  	s21 =	sadd.s32 s23, s24;
	(pc) =	sbr.rel @!p0 .LBB2_6-.Ltmp4, $4  }
0x6c: {  	s21 =	sshll.u32 s21, $0x2  }
0x6d: {  	s31 =	sshra.s32 s21, $0x2  }
0x6e: {  	s21 =	sadd.s32 $0x4F00, s31;
	[tilespmem:s31+$0x0] =	vst v1  }
0x6f: {  	s23 =	sadd.s32 $0xFFFFFFFF, s25;
	s24 =	sadd.s32 $0x10, s31;
	[tilespmem:s21+$0x0] =	vst v2  }
.LBB2_5:
0x70: {  	[tilespmem:s24+$0x0] =	vst v1;
	s21 =	sadd.s32 $0x10, s21;
	p0 =	sne.s32 s23, $0x1  }
.Ltmp5:
0x71: {  	s23 =	sadd.s32 $0xFFFFFFFF, s23;
	[tilespmem:s21+$0x0] =	vst v2;
	(pc) =	sbr.rel @p0 .LBB2_5-.Ltmp5, $2  }
0x72: {  	_ =	sdelay $0x2  }
0x73: {  	s24 =	sadd.s32 $0x10, s24  }
.LBB2_6:
0x74: {  	s21 =	sshll.u32 s22, $0x1;
	s23 =	simm.s32 $0x0;
	s24 =	simm.s32 $0x200  }
.LBB2_7:
0x75: {  	p0 =	sne.s32 s24, $0xDE00;
	[tilespmem:s23+$0x9E70] =	vst v3  }
0x76: {  	[tilespmem:s23+$0x9E00] =	vst v3  }
0x77: {  	[tilespmem:s23+$0x9E10] =	vst v3  }
.Ltmp6:
0x78: {  	[tilespmem:s23+$0x9E20] =	vst v3;
	(pc) =	sbr.rel @p0 .LBB2_7-.Ltmp6, $4  }
0x79: {  	[tilespmem:s23+$0x9E30] =	vst v3  }
0x7a: {  	[tilespmem:s23+$0x9E40] =	vst v3  }
0x7b: {  	[tilespmem:s23+$0x9E50] =	vst v3  }
0x7c: {  	[tilespmem:s23+$0x9E60] =	vst v3;
	s23 =	sshra.s32 s24, $0x2;
	s24 =	sadd.s32 $0x200, s24  }
0x7d: {  	[tilespmem:s23+$0x9E70] =	vst v3  }
0x7e: {  	[tilespmem:s23+$0x9E00] =	vst v3  }
0x7f: {  	[tilespmem:s23+$0x9E10] =	vst v3  }
0x80: {  	[tilespmem:s23+$0x9E20] =	vst v3  }
0x81: {  	[tilespmem:s23+$0x9E30] =	vst v3  }
0x82: {  	[tilespmem:s23+$0x9E40] =	vst v3  }
0x83: {  	[tilespmem:s23+$0x9E50] =	vst v3  }
0x84: {  	[tilespmem:s23+$0x9E60] =	vst v3  }
0x85: {  	[spmem:s6] =	stream.linear.scatter [tilespmem:s16], [sflag:$0x3], $0x3800, $0x38;
	[tilespmem:$0x1AE00] =	vst v63  }
0x86: {  	_ =	swait.ge [sflag:s13], $0x3800  }
0x87: {  	[sflag:s13] =	ssyncset.done $0x0  }
0x88: {  	p0 =	slt.s32 s22, $0x1;
	[sflag:s13] =	ssyncadd.s32 $0xFFFFC800  }
0x89: {  	[spmem:s8] =	stream.linear.scatter [tilespmem:s16], [sflag:$0x3], $0x3800, $0x38;
	[tilespmem:$0x1AE00] =	vst v63  }
.Ltmp7:
0x8a: {  	_ =	swait.ge [sflag:s13], $0x3800;
	(pc) =	sbr.rel @p0 .LBB2_12-.Ltmp7, $3  }
0x8b: {  	[sflag:s13] =	ssyncset.done $0x0  }
0x8c: {  	[sflag:s13] =	ssyncadd.s32 $0xFFFFC800  }
0x8d: {  	[bflag:$0x0] =	sbarrier.arrive $0xFFFF;
	_ =	sdelay $0x1  }
0x8e: {  	[tilespmem:s16], [sflag:$0x1] =	stream.indirect.gather [hbm4b:s2+s17], $0x80, s4, s17, $0xb8;
	[tilespmem:$0x1AE00] =	vst v63  }
0x8f: {  	_ = 	snop  }
0x90: {  	[tilespmem:s18], [sflag:$0x2] =	stream.indirect.gather [hbm4b:s2+s17], $0x80, s17, s17, $0xb8;
	[tilespmem:$0x1AE00] =	vst v63  }
0x91: {  	_ =	swait.ge [sflag:s15], $0x3800  }
0x92: {  	[sflag:s15] =	ssyncset.done $0x0  }
0x93: {  	s23 =	simm.s32 $0x4F00;
	[sflag:s15] =	ssyncadd.s32 $0xFFFFC800  }
0x94: {  	[spmem:s3] =	stream.indirect.scatter.add.f32 [tilespmem:s16], [sflag:$0x3], $0x80, s23, s17, $0xb8;
	[tilespmem:$0x1AE00] =	vst v63  }
0x95: {  	p0 =	sle.s32 s21, $0x2;
	_ =	swait.ge [sflag:s13], $0x3800  }
0x96: {  	s22 =	sadd.s32 $0xFFFFFFFF, s22;
	s24 =	simm.s32 @!p0 $0x70;
	[sflag:s13] =	ssyncset.done $0x0  }
0x97: {  	s25 =	simm.s32 @!p0 $0x9E00;
	s23 =	simm.s32 $0xE0;
	[sflag:s13] =	ssyncadd.s32 $0xFFFFC800  }
0x98: {  	[tilespmem:s25], [sflag:$0x1] =	stream.indirect.gather @!p0 [hbm4b:s2+s24], $0x80, s23, s24, $0xb8;
	[tilespmem:$0x1AE00] =	vst v63  }
0x99: {  	p0 =	sne.s32 s22, $0x0;
	_ =	swait.ge [sflag:s19], $0x3800  }
.Ltmp8:
0x9a: {  	p1 =	sle.s32 s21, $0x3;
	[sflag:s19] =	ssyncset.done $0x0;
	(pc) =	sbr.rel @!p0 .LBB2_11-.Ltmp8, $4  }
0x9b: {  	s31 =	simm.s32 $0x4F70;
	s26 =	simm.s32 @!p1 $0x150;
	[sflag:s19] =	ssyncadd.s32 $0xFFFFC800  }
0x9c: {  	[spmem:s3] =	stream.indirect.scatter.add.f32 [tilespmem:s18], [sflag:$0x3], $0x80, s31, s17, $0xb8;
	[tilespmem:$0x1AE00] =	vst v63  }
0x9d: {  	s28 =	simm.s32 @!p1 $0x70;
	s23 =	simm.s32 $0x4;
	_ =	swait.ge [sflag:s13], $0x3800  }
0x9e: {  	s24 =	simm.s32 $0x1C0;
	s25 =	simm.s32 $0x5050;
	[sflag:s13] =	ssyncset.done $0x0  }
.LBB2_10:
0x9f: {  	s22 =	sadd.s32 $0xFFFFFFFF, s22;
	[sflag:s13] =	ssyncadd.s32 $0xFFFFC800;
	s29 =	simm.s32 @!p1 $0xD600  }
0xa0: {  	[tilespmem:s29], [sflag:$0x2] =	stream.indirect.gather @!p1 [hbm4b:s2+s28], $0x80, s26, s28, $0xb8;
	[tilespmem:$0x1AE00] =	vst v63  }
0xa1: {  	p0 =	sne.s32 s22, $0x0;
	s26 =	smov.u32 s23;
	_ =	swait.ge [sflag:s15], $0x3800  }
0xa2: {  	s28 =	sadd.s32 $0xFFFFFF90, s25;
	s29 =	smov.u32 s24;
	[sflag:s15] =	ssyncset.done $0x0  }
0xa3: {  	[sflag:s15] =	ssyncadd.s32 $0xFFFFC800  }
0xa4: {  	[spmem:s3] =	stream.indirect.scatter.add.f32 [tilespmem:s16], [sflag:$0x3], $0x80, s28, s17, $0xb8;
	[tilespmem:$0x1AE00] =	vst v63  }
0xa5: {  	p1 =	sge.s32 s23, s21;
	_ =	swait.ge [sflag:s13], $0x3800  }
0xa6: {  	s30 =	simm.s32 @!p1 $0x9E00;
	s28 =	simm.s32 @!p1 $0x70;
	[sflag:s13] =	ssyncset.done $0x0  }
0xa7: {  	[sflag:s13] =	ssyncadd.s32 $0xFFFFC800  }
0xa8: {  	[tilespmem:s30], [sflag:$0x1] =	stream.indirect.gather @!p1 [hbm4b:s2+s28], $0x80, s24, s28, $0xb8;
	[tilespmem:$0x1AE00] =	vst v63  }
0xa9: {  	_ =	swait.ge [sflag:s19], $0x3800  }
.Ltmp9:
0xaa: {  	s23 =	sadd.s32 $0x2, s23;
	[sflag:s19] =	ssyncset.done $0x0;
	(pc) =	sbr.rel @p0 .LBB2_10-.Ltmp9, $4  }
0xab: {  	s26 =	sadd.s32 $0x1, s26;
	s24 =	sadd.s32 $0xE0, s24;
	[sflag:s19] =	ssyncadd.s32 $0xFFFFC800  }
0xac: {  	[spmem:s3] =	stream.indirect.scatter.add.f32 [tilespmem:s18], [sflag:$0x3], $0x80, s25, s17, $0xb8;
	[tilespmem:$0x1AE00] =	vst v63  }
0xad: {  	p1 =	sge.s32 s26, s21;
	s25 =	sadd.s32 $0xE0, s25;
	_ =	swait.ge [sflag:s13], $0x3800  }
0xae: {  	s26 =	sadd.s32 @!p1 $0x70, s29;
	s28 =	simm.s32 @!p1 $0x70;
	[sflag:s13] =	ssyncset.done $0x0  }
.Ltmp10:
0xaf: {  	_ = 	snop;
	(pc) =	sbr.rel .LBB2_11-.Ltmp10, $1  }
0xb0: {  	_ =	sdelay $0x3  }
.LBB2_13:
0xb1: {  	_ =	sfence.sel $0x180000  }
0xb2: {  	[bflag:$0x0] =	sbarrier.arrive $0xFFFF  }
0xb3: {  	p0 =	sne.s32 s0, $0x0;
	_ =	strace $0x9000004A  }
0xb4: {  	s0 =	sadd.s32 @!p0 $0x100000, s1;
	[bflag:$0x2] =	sbarrier.arrive $0xFFFF  }
0xb5: {  	[sflag:s0] =	ssyncadd.tile.s32 @!p0 $0x1;
	_ =	shalt  }
.Lfunc_end2:
_tile_overlayer_lowered:
.L_overlay_start_2:
0xb6: {  	(tag) =	ssettag $0x2  }
0xb7: {  	s0 =	rddreg [dreg:$0x0];
	s2 =	stileid.u32  }
0xb8: {  	s1 =	rddreg [dreg:$0x1];
	p0 =	sne.s32 s2, $0x0  }
0xb9: {  	s3 =	rddreg [dreg:$0x2];
	[bflag:$0x3] =	sbarrier.arrive $0xFFFF;
	s2 =	simm.s32 @!p0 $0x1C03  }
0xba: {  	[timem:s3], [sflag:s2] =	dma.local @!p0 [hbm:s0], s1  }
0xbb: {  	s0 =	simm.s32 @!p0 $0x3  }
0xbc: {  	_ =	swait.ge @!p0 [sflag:s0], s1  }
0xbd: {  	s1 =	ssub.s32 @!p0 $0x0, s1;
	[sflag:s0] =	ssyncset.done @!p0 $0x0  }
0xbe: {  	[sflag:s0] =	ssyncadd.s32 @!p0 s1  }
0xbf: {  	[bflag:$0x3] =	sbarrier.arrive $0xFFFF  }
0xc0: {  	_ =	shalt  }

// kernel: kernel.16.cloned.1.call-start
scs
__scs_entry_jumppad:
0x0: {  	(pc) =	sbr.rel $0x88, $3  }
0x1: {  	(tag) =	ssettag $0x0;
	lr =	simm.s32 $0x1  }
0x2: {  	[smem:$0x3F9D] =	sst lr;
	_ =	strace $0xD0000000  }
0x3: {  	_ = 	snop  }
0x4: {  	_ = 	snop  }
0x5: {  	_ = 	snop  }
0x6: {  	_ = 	snop  }
0x7: {  	_ = 	snop  }
__scs_overlays_trampoline_lowered:
0x8: {  	[smem:$0x3FAC] =	sst s0  }
0x9: {  	[smem:$0x3FAD] =	sst s1  }
0xa: {  	[smem:$0x3FAE] =	sst s2  }
0xb: {  	[smem:$0x3FAF] =	sst s3  }
0xc: {  	[smem:$0x3FB0] =	sst s4  }
0xd: {  	[smem:$0x3FB1] =	sst s5  }
0xe: {  	[smem:$0x3FB2] =	sst s6  }
0xf: {  	[smem:$0x3FB3] =	sst s7  }
0x10: {  	[smem:$0x3FB4] =	sst s8  }
0x11: {  	[smem:$0x3FB5] =	sst s9;
	s0 =	simm.s32 @!p0 $0x0  }
0x12: {  	s1 =	sld [smem:$0x3F9B];
	s0 =	simm.s32 @p0 $0x1  }
0x13: {  	[smem:$0x3FB6] =	sst s0;
	s0 =	simm.s32 @!p1 $0x0  }
0x14: {  	s2 =	sld [smem:$0x3F9A];
	s0 =	simm.s32 @p1 $0x1  }
0x15: {  	[smem:$0x3FB7] =	sst s0;
	s0 =	simm.s32 @!p2 $0x0  }
0x16: {  	s3 =	sld [smem:$0x3FDB];
	s0 =	simm.s32 @p2 $0x1  }
0x17: {  	s4 =	simm.s32 $0x1BF5;
	[smem:$0x3FB9] =	sst s0  }
0x18: {  	s0 =	sld [smem:$0x3F9C];
	_ =	swait.ge [sflag:s4], $0x0  }
0x19: {  	s7 =	sld [smem:$0x3F9D]  }
0x1a: {  	s8 =	sadd.s32 $0xFFFFE003, lr  }
0x1b: {  	s9 =	sadd.s32 $0xFFFFFEF7, lr;
	s5 =	simm.s32 $0xFFFFFFFF;
	p2 =	slt.u32 s8, $0xFFFFF086  }
0x1c: {  	p1 =	slt.u32 s9, $0xF7A;
	s5 =	simm.s32 @!p2 $0x0  }
0x1d: {  	s5 =	simm.s32 @p1 $0x1;
	p0 =	seq.s32 s7, s2  }
0x1e: {  	s7 =	smul.u32 @!p0 $0xF7A, s2;
	p2 =	seq.s32 @!p0 s5, $0x0  }
0x1f: {  	s9 =	smul.u32 $0xF7A, s1;
	s8 =	simm.s32 @!p0 $0x1BF5;
	p2 =	por !p2, p0  }
0x20: {  	[sflag:s8] =	ssyncset.s32 @!p0 $0xFFFFF086;
	s6 =	sadd.s32 @!p0 s3, s7;
	s7 =	simm.s32 @!p0 $0x108  }
0x21: {  	s3 =	sadd.s32 s3, s9;
	s6 =	sadd.s32 @!p0 $0x88, s6;
	s7 =	simm.s32 @p2 $0x1082  }
0x22: {  	[simem:s7], [sflag:s8] =	dma.local @!p0 [hbm:s6], $0xF7A  }
0x23: {  	s9 =	sor.u32 $0xD0000000, s2;
	s6 =	simm.s32 $0x108;
	_ =	swait.ge @!p0 [sflag:s8], $0x0  }
0x24: {  	s3 =	sadd.s32 $0x88, s3;
	s6 =	simm.s32 @!p1 $0x1082;
	[sflag:s4] =	ssyncset.s32 $0xFFFFF086  }
0x25: {  	[simem:s6], [sflag:s4] =	dma.local [hbm:s3], $0xF7A  }
0x26: {  	[smem:$0x3F9D] =	sst s1;
	(tag) =	ssettag s2;
	_ =	strace s9  }
0x27: {  	s1 =	sld [smem:$0x3FAD]  }
0x28: {  	s2 =	sld [smem:$0x3FAE]  }
0x29: {  	s4 =	sld [smem:$0x3FB0]  }
0x2a: {  	p0 =	seq.s32 s5, $0x0;
	s5 =	sld [smem:$0x3FB1]  }
0x2b: {  	s6 =	sld [smem:$0x3FB2]  }
0x2c: {  	s7 =	sld [smem:$0x3FB3]  }
0x2d: {  	s3 =	simm.s32 $0x108;
	s8 =	sld [smem:$0x3FB4]  }
0x2e: {  	s3 =	simm.s32 @!p0 $0x1082;
	s9 =	sld [smem:$0x3FB5]  }
0x2f: {  	lr =	sadd.s32 s0, s3;
	s0 =	sld [smem:$0x3FAC]  }
0x30: {  	s3 =	sld [smem:$0x3FAF]  }
0x31: {  	[smem:$0x3FB8] =	sst s10  }
0x32: {  	s10 =	sld [smem:$0x3FB6];
	_ =	sdelay $0x3  }
0x33: {  	p0 =	seq.s32 s10, $0x1;
	s10 =	sld [smem:$0x3FB8];
	_ =	sdelay $0x3  }
0x34: {  	[smem:$0x3FB8] =	sst s10  }
0x35: {  	s10 =	sld [smem:$0x3FB7];
	_ =	sdelay $0x3  }
0x36: {  	p1 =	seq.s32 s10, $0x1;
	s10 =	sld [smem:$0x3FB8];
	_ =	sdelay $0x3  }
0x37: {  	[smem:$0x3FB8] =	sst s10  }
0x38: {  	s10 =	sld [smem:$0x3FB9]  }
0x39: {  	_ = 	snop;
	(pc) =	sbr.ind lr, $3  }
0x3a: {  	_ = 	snop  }
0x3b: {  	_ = 	snop  }
0x3c: {  	p2 =	seq.s32 s10, $0x1;
	s10 =	sld [smem:$0x3FB8]  }
0x3d: {  	_ =	shalt  }
0x3e: {  	_ =	shalt  }
0x3f: {  	_ =	shalt  }
0x40: {  	_ =	shalt  }
0x41: {  	_ =	shalt  }
0x42: {  	_ =	shalt  }
0x43: {  	_ =	shalt  }
0x44: {  	_ =	shalt  }
0x45: {  	_ =	shalt  }
0x46: {  	_ =	shalt  }
0x47: {  	_ =	shalt  }
0x48: {  	_ =	shalt  }
0x49: {  	_ =	shalt  }
0x4a: {  	_ =	shalt  }
0x4b: {  	_ =	shalt  }
0x4c: {  	_ =	shalt  }
0x4d: {  	_ =	shalt  }
0x4e: {  	_ =	shalt  }
0x4f: {  	_ =	shalt  }
0x50: {  	_ =	shalt  }
0x51: {  	_ =	shalt  }
0x52: {  	_ =	shalt  }
0x53: {  	_ =	shalt  }
0x54: {  	_ =	shalt  }
0x55: {  	_ =	shalt  }
0x56: {  	_ =	shalt  }
0x57: {  	_ =	shalt  }
0x58: {  	_ =	shalt  }
0x59: {  	_ =	shalt  }
0x5a: {  	_ =	shalt  }
0x5b: {  	_ =	shalt  }
0x5c: {  	_ =	shalt  }
0x5d: {  	_ =	shalt  }
0x5e: {  	_ =	shalt  }
0x5f: {  	_ =	shalt  }
0x60: {  	_ =	shalt  }
0x61: {  	_ =	shalt  }
0x62: {  	_ =	shalt  }
0x63: {  	_ =	shalt  }
0x64: {  	_ =	shalt  }
0x65: {  	_ =	shalt  }
0x66: {  	_ =	shalt  }
0x67: {  	_ =	shalt  }
0x68: {  	_ =	shalt  }
0x69: {  	_ =	shalt  }
0x6a: {  	_ =	shalt  }
0x6b: {  	_ =	shalt  }
0x6c: {  	_ =	shalt  }
0x6d: {  	_ =	shalt  }
0x6e: {  	_ =	shalt  }
0x6f: {  	_ =	shalt  }
0x70: {  	_ =	shalt  }
0x71: {  	_ =	shalt  }
0x72: {  	_ =	shalt  }
0x73: {  	_ =	shalt  }
0x74: {  	_ =	shalt  }
0x75: {  	_ =	shalt  }
0x76: {  	_ =	shalt  }
0x77: {  	_ =	shalt  }
0x78: {  	_ =	shalt  }
0x79: {  	_ =	shalt  }
0x7a: {  	_ =	shalt  }
0x7b: {  	_ =	shalt  }
0x7c: {  	_ =	shalt  }
0x7d: {  	_ =	shalt  }
0x7e: {  	_ =	shalt  }
0x7f: {  	_ =	shalt  }
0x80: {  	_ =	shalt  }
0x81: {  	_ =	shalt  }
0x82: {  	_ =	shalt  }
0x83: {  	_ =	shalt  }
0x84: {  	_ =	shalt  }
0x85: {  	_ =	shalt  }
0x86: {  	_ =	shalt  }
0x87: {  	_ =	shalt  }
.Lfunc_end0:
.L_simem_size_0:
called_computation.2_lowered:
.L_overlay_start_0:
0x88: {  	s2 =	sld [smem:$0x3FD9]  }
0x89: {  	s3 =	sld [smem:$0x3FFE];
	_ =	sdelay $0x1  }
0x8a: {  	s1 =	srdreg.scid  }
0x8b: {  	s0 =	sand.u32 $0x1, s1  }
0x8c: {  	s17 =	sshll.u32 s0, $0xA;
	s2 =	sadd.s32 s3, s2  }
0x8d: {  	s2 =	sadd.s32 s2, s17  }
0x8e: {  	[smem:$0x3FC4] =	sst s2  }
0x8f: {  	_ = 	snop  }
0x90: {  	s2 =	sld [smem:$0x3FD0];
	(tm) =	ssettm $0x1  }
0x91: {  	s18 =	sld [smem:$0x3FFB];
	_ =	sdelay $0x3  }
0x92: {  	_ =	strace s18  }
0x93: {  	s3 =	sld [smem:$0x3FFC];
	_ =	sdelay $0x3  }
0x94: {  	_ =	strace s3  }
0x95: {  	s3 =	sld [smem:$0x3FFD];
	_ =	sdelay $0x3  }
0x96: {  	_ =	strace s3  }
0x97: {  	_ =	strace $0x8FFFFFFF  }
0x98: {  	s19 =	sld [smem:$0x3FDB];
	_ =	sdelay $0x1  }
0x99: {  	s4 =	simm.s32 $_scs_section_size  }
0x9a: {  	s5 =	simm.s32 $_size__tile_overlayer_lowered;
	s6 =	simm.s32 $_tile_overlayer_lowered  }
0x9b: {  	s22 =	simm.s32 $0x1BFF;
	s21 =	sshll.u32 s6, $0x1;
	s3 =	sadd.s32 s4, s19  }
0x9c: {  	s7 =	simm.s32 $0x0;
	s20 =	sshll.u32 s5, $0x1;
	s5 =	sadd.s32 s21, s3  }
0x9d: {  	[timem:s7], [sflag:s22] =	dma.local [hbm:s5], s20  }
0x9e: {  	_ =	swait.ge [sflag:s22], s20  }
0x9f: {  	s4 =	ssub.s32 $0x0, s20;
	[sflag:s22] =	ssyncset.done $0x0  }
0xa0: {  	[sflag:s22] =	ssyncadd.s32 s4;
	_ =	sdelay $0x1  }
0xa1: {  	s23 =	simm.s32 $0x1B8B  }
0xa2: {  	_ =	swait.ge [sflag:s23], $0x1  }
0xa3: {  	[sflag:s23] =	ssyncset.done $0x0  }
0xa4: {  	s25 =	simm.s32 $0x1B8E;
	s24 =	sld [smem:$0x3FFE];
	[sflag:s23] =	ssyncadd.s32 $0xFFFFFFFF  }
0xa5: {  	s26 =	simm.s32 $execute0_lowered;
	[smem:$0x3FD2] =	sst s25  }
0xa6: {  	s5 =	sshll.u32 s26, $0x1;
	_ =	strace $0x8000004C;
	[dreg:$0x1] =	wrdreg $0xFFFFFFFF  }
0xa7: {  	s28 =	simm.s32 $_size_execute0_lowered;
	s3 =	sadd.s32 s3, s5;
	[dreg:$0x0] =	wrdreg $0x0  }
0xa8: {  	s5 =	sshll.u32 s28, $0x1;
	[dreg:$0x2] =	wrdreg s3  }
0xa9: {  	[dreg:$0x3] =	wrdreg s5  }
0xaa: {  	[dreg:$0x4] =	wrdreg $0xC0  }
0xab: {  	_ =	task [dreg:s7], $0x5FFFF  }
0xac: {  	[dreg:$0x1] =	wrdreg $0xFFFFFFFF  }
0xad: {  	[dreg:$0x0] =	wrdreg $0x60  }
0xae: {  	[dreg:$0x2] =	wrdreg s2  }
0xaf: {  	[dreg:$0x3] =	wrdreg s24  }
0xb0: {  	[dreg:$0x4] =	wrdreg $0x10E000  }
0xb1: {  	[dreg:$0x5] =	wrdreg $0x9  }
0xb2: {  	_ =	task.clear_ibuf [dreg:s7], $0x6FFFF;
	_ =	strace $0x9000004C  }
0xb3: {  	s29 =	simm.s32 $0x9;
	_ =	strace $0x8000004E  }
0xb4: {  	_ =	swait.ge [sflag:s29], $0x1  }
0xb5: {  	[sflag:s29] =	ssyncadd.s32 $0xFFFFFFFF  }
0xb6: {  	_ =	strace $0x9000004E  }
0xb7: {  	_ =	sfence  }
0xb8: {  	s30 =	sld [smem:$0x0];
	_ =	sdelay $0x2  }
0xb9: {  	s31 =	sshll.u32 s1, $0xD;
	s1 =	sshrl.u32 s1, $0x2  }
0xba: {  	s3 =	sand.u32 $0x4000, s31;
	s1 =	sadd.s32 s1, s30  }
0xbb: {  	s0 =	sor.u32 s3, s0;
	s1 =	sshll.u32 s1, $0x11  }
0xbc: {  	s0 =	sor.u32 s1, s0  }
0xbd: {  	s0 =	sadd.s32 $0x8F2B, s0  }
0xbe: {  	[sflag:s0] =	ssyncadd.remote.s32 $0x1  }
0xbf: {  	_ =	sfence.sel $0xFFFF  }
0xc0: {  	[dreg:$0x0] =	wrdreg $0xFFFFFFFF;
	(pc) =	sbr.abs _section_cstart, $3  }
0xc1: {  	[dreg:$0x1] =	wrdreg $0xFFFFFFFF  }
0xc2: {  	_ =	task.clear_ibuf [dreg:s7], $0x2FFFF;
	_ =	strace $0x9FFFFFFF  }
0xc3: {  	(tm) =	ssettm $0x7FFFFFFF  }
tec
execute0_lowered:
.L_overlay_start_1:
0x0: {  	(tag) =	ssettag $0x1  }
0x1: {  	s2 =	rddreg [dreg:$0x0]  }
0x2: {  	s5 =	rddreg [dreg:$0x1]  }
0x3: {  	s0 =	stileid.u32;
	s3 =	rddreg [dreg:$0x2]  }
0x4: {  	s6 =	srdreg.scid;
	s1 =	rddreg [dreg:$0x3]  }
0x5: {  	s13 =	simm.s32 $0x3;
	s14 =	simm.s32 $0x4F00;
	s16 =	simm.s32 $0x9E00  }
0x6: {  	s17 =	simm.s32 $0x70;
	s18 =	simm.s32 $0xD600;
	s10 =	smul.u32 $0xA000, s0  }
0x7: {  	s19 =	simm.s32 $0x2;
	s4 =	sshrl.u32 s0, $0x3;
	s25 =	smul.u32 $0x28000, s0  }
0x8: {  	s20 =	simm.s32 $0x0;
	s8 =	sand.u32 $0x1, s6;
	s7 =	smul.u32 $0x27800, s4  }
0x9: {  	s23 =	sshll.u32 s0, $0x7;
	s4 =	simm.s32 $0x0;
	s9 =	smul.u32 $0xA0000, s8  }
0xa: {  	s6 =	sand.u32 $0x380, s23;
	s29 =	ssub.s32 $0x2, s8;
	s15 =	smul.u32 $0xFFFFEC78, s8  }
0xb: {  	[smem:$0x7FF] =	sst s4;
	s30 =	sshrl.u32 s29, $0x1;
	s31 =	sshrl.u32 s25, $0x2  }
0xc: {  	_ =	strace $0x8000004D;
	s6 =	sor.u32 s6, s7;
	s24 =	sadd.s32 s10, s9  }
.Ltmp0:
0xd: {  	s12 =	ssub.s32 s29, s30;
	v0 =	vmov s15;
	s15 =	simm.s32 $0x1;
	(pc) =	sbr.rel .LBB2_1-.Ltmp0, $4  }
0xe: {  	s6 =	sshrl.u32 s6, $0x3;
	s28 =	sshrl.u32 s24, $0x3;
	s10 =	smax.u32 s12, $0x1  }
0xf: {  	s12 =	simm.s32 $0x400;
	s26 =	sadd.s32 s6, s5;
	s11 =	sadd.s32 s28, s5  }
0x10: {  	s6 =	sadd.s32 s31, s3;
	s5 =	sadd.s32 $0xBC00, s26;
	s7 =	sadd.s32 $0x15A00, s26  }
0x11: {  	v1 =	vimm.s32 $0x0;
	v2 =	vimm.s32 $0x1388;
	v3 =	vimm.f32 $0.0e+00;
	s8 =	sadd.s32 $0x3800, s6;
	s9 =	sadd.s32 $0x1F800, s11;
	s11 =	simm.s32 $0x80  }
.LBB2_11:
0x12: {  	[sflag:s13] =	ssyncadd.s32 $0xFFFFC800;
	s21 =	simm.s32 @!p1 $0xD600  }
0x13: {  	[tilespmem:s21], [sflag:$0x2] =	stream.indirect.gather @!p1 [hbm4b:s2+s28], $0x80, s26, s28, $0xb8;
	[tilespmem:$0x1AE00] =	vst v63  }
.LBB2_12:
0x14: {  	s20 =	sadd.s32 $0x1, s20  }
0x15: {  	s21 =	sshll.u32 s0, $0x6;
	[bflag:$0x0] =	sbarrier.arrive $0xFFFF;
	p0 =	sne.s32 s20, s10  }
.Ltmp1:
0x16: {  	s22 =	sshrl.u32 s6, $0x3;
	s21 =	sor.u32 $0x1C03, s21;
	(pc) =	sbr.rel @!p0 .LBB2_13-.Ltmp1, $4  }
0x17: {  	[hbm:s9], [sflag:s21] =	dma.local [spmem:s22], $0x1400  }
0x18: {  	_ =	swait.ge [sflag:s13], $0x1400  }
0x19: {  	[sflag:s13] =	ssyncset.done $0x0  }
0x1a: {  	[sflag:s13] =	ssyncadd.s32 $0xFFFFEC00  }
.LBB2_1:
0x1b: {  	[tilespmem:s4], [sflag:$0x3] =	stream.strided.gather [hbm4b:s5+s11], $0x4F00, s12, s11, $0x38;
	[tilespmem:$0x1AE00] =	vst v63  }
0x1c: {  	_ =	swait.ge [sflag:s13], $0x4F00  }
0x1d: {  	[sflag:s13] =	ssyncset.done $0x0  }
0x1e: {  	[sflag:s13] =	ssyncadd.s32 $0xFFFFB100  }
0x1f: {  	[tilespmem:s14], [sflag:$0x3] =	stream.strided.gather [hbm4b:s7+s11], $0x4F00, s12, s11, $0x38;
	[tilespmem:$0x1AE00] =	vst v63  }
0x20: {  	_ =	swait.ge [sflag:s13], $0x4F00  }
0x21: {  	[sflag:s13] =	ssyncset.done $0x0  }
0x22: {  	s21 =	simm.s32 $0x0;
	[sflag:s13] =	ssyncadd.s32 $0xFFFFB100  }
0x23: {  	v4 =	vld [tilespmem:s21+$0x4F00];
	_ =	sdelay $0x4  }
0x24: {  	v4 =	vadd.s32 v0, v4  }
0x25: {  	vm0 =	vlt.u32 v4, $0x1388  }
0x26: {  	v5 =	vmpcnt.ones.xlane vm0;
	_ =	sdelay $0x1  }
0x27: {  	v5 =	vxor.u32 $0x80000000, v5  }
0x28: {  	(xrf0) =	vmax.scan.msk.u32 $0xffff, v5  }
0x29: {  	v5 =	vld [tilespmem:s21+$0x0];
	_ =	sdelay $0x4  }
0x2a: {  	[tilespmem:s4+$0x0] =	vst.msk vm0, v5;
	v5, _, _ =	vpop (xrf0)  }
0x2b: {  	(v2sf) =	vpush v5, $0xF  }
0x2c: {  	s23 =	simm.s32 $0x80;
	s22 =	simm.s32 $0x0;
	s21 =	simm.s32 $0x10;
	[tilespmem:s4+$0x4F00] =	vst.msk vm0, v4  }
.LBB2_2:
0x2d: {  	p0 =	sne.s32 s23, $0x13B00;
	v4 =	vld [tilespmem:s21+$0x4F00];
	_ =	sdelay $0x4  }
0x2e: {  	v4 =	vadd.s32 v0, v4  }
0x2f: {  	vm0 =	vlt.u32 v4, $0x1388  }
0x30: {  	v5 =	vmpcnt.ones.xlane vm0;
	_ =	sdelay $0x1  }
0x31: {  	v5 =	vxor.u32 $0x80000000, v5  }
0x32: {  	(xrf0) =	vmax.scan.msk.u32 $0xffff, v5  }
0x33: {  	v5 =	vld [tilespmem:s21+$0x0];
	_ =	sdelay $0x1  }
0x34: {  	s21 =	spop (v2sf)  }
.Ltmp2:
0x35: {  	s21 =	sadd.s32 s21, s22;
	(pc) =	sbr.rel @p0 .LBB2_2-.Ltmp2, $4  }
0x36: {  	s22 =	sadd.s32 $0x80000000, s21  }
0x37: {  	[tilespmem:s22+$0x0] =	vst.msk vm0, v5;
	v5, _, _ =	vpop (xrf0)  }
0x38: {  	[tilespmem:s22+$0x4F00] =	vst.msk vm0, v4;
	(v2sf) =	vpush v5, $0xF  }
0x39: {  	s21 =	sshra.s32 s23, $0x2;
	s23 =	sadd.s32 $0x40, s23  }
0x3a: {  	v4 =	vld [tilespmem:s21+$0x4F00];
	_ =	sdelay $0x4  }
0x3b: {  	v4 =	vadd.s32 v0, v4  }
0x3c: {  	vm0 =	vlt.u32 v4, $0x1388  }
0x3d: {  	v5 =	vmpcnt.ones.xlane vm0;
	_ =	sdelay $0x1  }
0x3e: {  	v5 =	vxor.u32 $0x80000000, v5  }
0x3f: {  	(xrf0) =	vmax.scan.msk.u32 $0xffff, v5;
	_ =	sdelay $0x5  }
0x40: {  	v5, _, _ =	vpop (xrf0)  }
0x41: {  	(v2sf) =	vpush v5, $0xF;
	_ =	sdelay $0xc  }
0x42: {  	s23 =	spop (v2sf)  }
0x43: {  	s22 =	sadd.s32 s23, s22  }
0x44: {  	s23 =	sadd.s32 $0x80000000, s22;
	s24 =	spop (v2sf)  }
0x45: {  	s22 =	sadd.s32 s24, s23  }
0x46: {  	s25 =	sadd.s32 $0x80000000, s22  }
0x47: {  	s22 =	sadd.s32 $0x6F, s25  }
0x48: {  	s26 =	smulhi.u32 $0x92492493, s22;
	s28 =	sshra.s32 s22, $0x1F  }
0x49: {  	s29 =	ssub.s32 $0xFFFFFF91, s25;
	s28 =	smul.u32 $0x92492493, s28  }
0x4a: {  	s26 =	sadd.s32 s29, s26  }
0x4b: {  	s26 =	sadd.s32 s28, s26  }
0x4c: {  	s26 =	sadd.s32 s22, s26  }
0x4d: {  	s30 =	sshrl.u32 s26, $0x1F;
	s26 =	sshra.s32 s26, $0x6  }
0x4e: {  	s26 =	sadd.s32 s30, s26  }
0x4f: {  	s28 =	smul.u32 $0xFFFFFF90, s26;
	_ =	sdelay $0x1  }
0x50: {  	p0 =	slt.s32 s22, $0x1;
	p1 =	sne.s32 s28, s29  }
0x51: {  	p0 =	por !p0, !p1  }
0x52: {  	s22 =	simm.s32 $0x1;
	p0 =	por !p0, !p0  }
0x53: {  	s22 =	simm.s32 @!p0 $0x0  }
0x54: {  	s22 =	ssub.s32 s26, s22  }
0x55: {  	s26 =	sadd.s32 $0x1, s22  }
0x56: {  	s31 =	sand.u32 $0x1, s26  }
0x57: {  	p3 =	slt.s32 s22, $0x0;
	p4 =	seq.s32 s31, $0x1  }
0x58: {  	s29 =	sshrl.u32 s26, $0x1F;
	p0 =	por !p3, !p4  }
0x59: {  	s22 =	sadd.s32 s29, s26;
	s26 =	simm.s32 $0x1;
	p0 =	por !p0, !p0  }
0x5a: {  	s22 =	sshra.s32 s22, $0x1;
	s26 =	simm.s32 @!p0 $0x0  }
0x5b: {  	s22 =	ssub.s32 s22, s26  }
0x5c: {  	s26 =	smul.u32 $0xE0, s22;
	_ =	sdelay $0x1  }
0x5d: {  	s25 =	ssub.s32 s26, s25  }
0x5e: {  	s25 =	sadd.s32 $0xF, s25  }
0x5f: {  	s30 =	sand.u32 $0xF, s25  }
0x60: {  	s31 =	sshra.s32 s25, $0x1F;
	p5 =	slt.s32 s25, $0x1;
	p6 =	sne.s32 s30, $0x0  }
0x61: {  	v5 =	vld [tilespmem:s21+$0x0];
	s21 =	sshrl.u32 s31, $0x1C;
	p0 =	por !p5, !p6  }
0x62: {  	s21 =	sadd.s32 s21, s25;
	s25 =	simm.s32 $0x1;
	p0 =	por !p0, !p0  }
0x63: {  	s21 =	sshra.s32 s21, $0x4;
	s25 =	simm.s32 @!p0 $0x0  }
0x64: {  	s25 =	ssub.s32 s21, s25  }
0x65: {  	p0 =	slt.s32 s25, $0x1  }
.Ltmp3:
0x66: {  	_ = 	snop;
	(pc) =	sbr.rel @p0 .LBB2_6-.Ltmp3, $3  }
0x67: {  	_ =	sdelay $0x1  }
0x68: {  	[tilespmem:s23+$0x0] =	vst.msk vm0, v5  }
0x69: {  	[tilespmem:s23+$0x4F00] =	vst.msk vm0, v4  }
0x6a: {  	p0 =	sne.s32 s25, $0x1  }
.Ltmp4:
0x6b: {  	s21 =	sadd.s32 s23, s24;
	(pc) =	sbr.rel @!p0 .LBB2_6-.Ltmp4, $4  }
0x6c: {  	s21 =	sshll.u32 s21, $0x2  }
0x6d: {  	s31 =	sshra.s32 s21, $0x2  }
0x6e: {  	s21 =	sadd.s32 $0x4F00, s31;
	[tilespmem:s31+$0x0] =	vst v1  }
0x6f: {  	s23 =	sadd.s32 $0xFFFFFFFF, s25;
	s24 =	sadd.s32 $0x10, s31;
	[tilespmem:s21+$0x0] =	vst v2  }
.LBB2_5:
0x70: {  	[tilespmem:s24+$0x0] =	vst v1;
	s21 =	sadd.s32 $0x10, s21;
	p0 =	sne.s32 s23, $0x1  }
.Ltmp5:
0x71: {  	s23 =	sadd.s32 $0xFFFFFFFF, s23;
	[tilespmem:s21+$0x0] =	vst v2;
	(pc) =	sbr.rel @p0 .LBB2_5-.Ltmp5, $2  }
0x72: {  	_ =	sdelay $0x2  }
0x73: {  	s24 =	sadd.s32 $0x10, s24  }
.LBB2_6:
0x74: {  	s21 =	sshll.u32 s22, $0x1;
	s23 =	simm.s32 $0x0;
	s24 =	simm.s32 $0x200  }
.LBB2_7:
0x75: {  	p0 =	sne.s32 s24, $0xDE00;
	[tilespmem:s23+$0x9E70] =	vst v3  }
0x76: {  	[tilespmem:s23+$0x9E00] =	vst v3  }
0x77: {  	[tilespmem:s23+$0x9E10] =	vst v3  }
.Ltmp6:
0x78: {  	[tilespmem:s23+$0x9E20] =	vst v3;
	(pc) =	sbr.rel @p0 .LBB2_7-.Ltmp6, $4  }
0x79: {  	[tilespmem:s23+$0x9E30] =	vst v3  }
0x7a: {  	[tilespmem:s23+$0x9E40] =	vst v3  }
0x7b: {  	[tilespmem:s23+$0x9E50] =	vst v3  }
0x7c: {  	[tilespmem:s23+$0x9E60] =	vst v3;
	s23 =	sshra.s32 s24, $0x2;
	s24 =	sadd.s32 $0x200, s24  }
0x7d: {  	[tilespmem:s23+$0x9E70] =	vst v3  }
0x7e: {  	[tilespmem:s23+$0x9E00] =	vst v3  }
0x7f: {  	[tilespmem:s23+$0x9E10] =	vst v3  }
0x80: {  	[tilespmem:s23+$0x9E20] =	vst v3  }
0x81: {  	[tilespmem:s23+$0x9E30] =	vst v3  }
0x82: {  	[tilespmem:s23+$0x9E40] =	vst v3  }
0x83: {  	[tilespmem:s23+$0x9E50] =	vst v3  }
0x84: {  	[tilespmem:s23+$0x9E60] =	vst v3  }
0x85: {  	[spmem:s6] =	stream.linear.scatter [tilespmem:s16], [sflag:$0x3], $0x3800, $0x38;
	[tilespmem:$0x1AE00] =	vst v63  }
0x86: {  	_ =	swait.ge [sflag:s13], $0x3800  }
0x87: {  	[sflag:s13] =	ssyncset.done $0x0  }
0x88: {  	p0 =	slt.s32 s22, $0x1;
	[sflag:s13] =	ssyncadd.s32 $0xFFFFC800  }
0x89: {  	[spmem:s8] =	stream.linear.scatter [tilespmem:s16], [sflag:$0x3], $0x3800, $0x38;
	[tilespmem:$0x1AE00] =	vst v63  }
.Ltmp7:
0x8a: {  	_ =	swait.ge [sflag:s13], $0x3800;
	(pc) =	sbr.rel @p0 .LBB2_12-.Ltmp7, $3  }
0x8b: {  	[sflag:s13] =	ssyncset.done $0x0  }
0x8c: {  	[sflag:s13] =	ssyncadd.s32 $0xFFFFC800  }
0x8d: {  	[bflag:$0x0] =	sbarrier.arrive $0xFFFF;
	_ =	sdelay $0x1  }
0x8e: {  	[tilespmem:s16], [sflag:$0x1] =	stream.indirect.gather [hbm4b:s2+s17], $0x80, s4, s17, $0xb8;
	[tilespmem:$0x1AE00] =	vst v63  }
0x8f: {  	_ = 	snop  }
0x90: {  	[tilespmem:s18], [sflag:$0x2] =	stream.indirect.gather [hbm4b:s2+s17], $0x80, s17, s17, $0xb8;
	[tilespmem:$0x1AE00] =	vst v63  }
0x91: {  	_ =	swait.ge [sflag:s15], $0x3800  }
0x92: {  	[sflag:s15] =	ssyncset.done $0x0  }
0x93: {  	s23 =	simm.s32 $0x4F00;
	[sflag:s15] =	ssyncadd.s32 $0xFFFFC800  }
0x94: {  	[spmem:s3] =	stream.indirect.scatter.add.f32 [tilespmem:s16], [sflag:$0x3], $0x80, s23, s17, $0xb8;
	[tilespmem:$0x1AE00] =	vst v63  }
0x95: {  	p0 =	sle.s32 s21, $0x2;
	_ =	swait.ge [sflag:s13], $0x3800  }
0x96: {  	s22 =	sadd.s32 $0xFFFFFFFF, s22;
	s24 =	simm.s32 @!p0 $0x70;
	[sflag:s13] =	ssyncset.done $0x0  }
0x97: {  	s25 =	simm.s32 @!p0 $0x9E00;
	s23 =	simm.s32 $0xE0;
	[sflag:s13] =	ssyncadd.s32 $0xFFFFC800  }
0x98: {  	[tilespmem:s25], [sflag:$0x1] =	stream.indirect.gather @!p0 [hbm4b:s2+s24], $0x80, s23, s24, $0xb8;
	[tilespmem:$0x1AE00] =	vst v63  }
0x99: {  	p0 =	sne.s32 s22, $0x0;
	_ =	swait.ge [sflag:s19], $0x3800  }
.Ltmp8:
0x9a: {  	p1 =	sle.s32 s21, $0x3;
	[sflag:s19] =	ssyncset.done $0x0;
	(pc) =	sbr.rel @!p0 .LBB2_11-.Ltmp8, $4  }
0x9b: {  	s31 =	simm.s32 $0x4F70;
	s26 =	simm.s32 @!p1 $0x150;
	[sflag:s19] =	ssyncadd.s32 $0xFFFFC800  }
0x9c: {  	[spmem:s3] =	stream.indirect.scatter.add.f32 [tilespmem:s18], [sflag:$0x3], $0x80, s31, s17, $0xb8;
	[tilespmem:$0x1AE00] =	vst v63  }
0x9d: {  	s28 =	simm.s32 @!p1 $0x70;
	s23 =	simm.s32 $0x4;
	_ =	swait.ge [sflag:s13], $0x3800  }
0x9e: {  	s24 =	simm.s32 $0x1C0;
	s25 =	simm.s32 $0x5050;
	[sflag:s13] =	ssyncset.done $0x0  }
.LBB2_10:
0x9f: {  	s22 =	sadd.s32 $0xFFFFFFFF, s22;
	[sflag:s13] =	ssyncadd.s32 $0xFFFFC800;
	s29 =	simm.s32 @!p1 $0xD600  }
0xa0: {  	[tilespmem:s29], [sflag:$0x2] =	stream.indirect.gather @!p1 [hbm4b:s2+s28], $0x80, s26, s28, $0xb8;
	[tilespmem:$0x1AE00] =	vst v63  }
0xa1: {  	p0 =	sne.s32 s22, $0x0;
	s26 =	smov.u32 s23;
	_ =	swait.ge [sflag:s15], $0x3800  }
0xa2: {  	s28 =	sadd.s32 $0xFFFFFF90, s25;
	s29 =	smov.u32 s24;
	[sflag:s15] =	ssyncset.done $0x0  }
0xa3: {  	[sflag:s15] =	ssyncadd.s32 $0xFFFFC800  }
0xa4: {  	[spmem:s3] =	stream.indirect.scatter.add.f32 [tilespmem:s16], [sflag:$0x3], $0x80, s28, s17, $0xb8;
	[tilespmem:$0x1AE00] =	vst v63  }
0xa5: {  	p1 =	sge.s32 s23, s21;
	_ =	swait.ge [sflag:s13], $0x3800  }
0xa6: {  	s30 =	simm.s32 @!p1 $0x9E00;
	s28 =	simm.s32 @!p1 $0x70;
	[sflag:s13] =	ssyncset.done $0x0  }
0xa7: {  	[sflag:s13] =	ssyncadd.s32 $0xFFFFC800  }
0xa8: {  	[tilespmem:s30], [sflag:$0x1] =	stream.indirect.gather @!p1 [hbm4b:s2+s28], $0x80, s24, s28, $0xb8;
	[tilespmem:$0x1AE00] =	vst v63  }
0xa9: {  	_ =	swait.ge [sflag:s19], $0x3800  }
.Ltmp9:
0xaa: {  	s23 =	sadd.s32 $0x2, s23;
	[sflag:s19] =	ssyncset.done $0x0;
	(pc) =	sbr.rel @p0 .LBB2_10-.Ltmp9, $4  }
0xab: {  	s26 =	sadd.s32 $0x1, s26;
	s24 =	sadd.s32 $0xE0, s24;
	[sflag:s19] =	ssyncadd.s32 $0xFFFFC800  }
0xac: {  	[spmem:s3] =	stream.indirect.scatter.add.f32 [tilespmem:s18], [sflag:$0x3], $0x80, s25, s17, $0xb8;
	[tilespmem:$0x1AE00] =	vst v63  }
0xad: {  	p1 =	sge.s32 s26, s21;
	s25 =	sadd.s32 $0xE0, s25;
	_ =	swait.ge [sflag:s13], $0x3800  }
0xae: {  	s26 =	sadd.s32 @!p1 $0x70, s29;
	s28 =	simm.s32 @!p1 $0x70;
	[sflag:s13] =	ssyncset.done $0x0  }
.Ltmp10:
0xaf: {  	_ = 	snop;
	(pc) =	sbr.rel .LBB2_11-.Ltmp10, $1  }
0xb0: {  	_ =	sdelay $0x3  }
.LBB2_13:
0xb1: {  	_ =	sfence.sel $0x180000  }
0xb2: {  	[bflag:$0x0] =	sbarrier.arrive $0xFFFF  }
0xb3: {  	p0 =	sne.s32 s0, $0x0;
	_ =	strace $0x9000004D  }
0xb4: {  	s0 =	sadd.s32 @!p0 $0x100000, s1;
	[bflag:$0x2] =	sbarrier.arrive $0xFFFF  }
0xb5: {  	[sflag:s0] =	ssyncadd.tile.s32 @!p0 $0x1;
	_ =	shalt  }
.Lfunc_end2:
_tile_overlayer_lowered:
.L_overlay_start_2:
0xb6: {  	(tag) =	ssettag $0x2  }
0xb7: {  	s0 =	rddreg [dreg:$0x0];
	s2 =	stileid.u32  }
0xb8: {  	s1 =	rddreg [dreg:$0x1];
	p0 =	sne.s32 s2, $0x0  }
0xb9: {  	s3 =	rddreg [dreg:$0x2];
	[bflag:$0x3] =	sbarrier.arrive $0xFFFF;
	s2 =	simm.s32 @!p0 $0x1C03  }
0xba: {  	[timem:s3], [sflag:s2] =	dma.local @!p0 [hbm:s0], s1  }
0xbb: {  	s0 =	simm.s32 @!p0 $0x3  }
0xbc: {  	_ =	swait.ge @!p0 [sflag:s0], s1  }
0xbd: {  	s1 =	ssub.s32 @!p0 $0x0, s1;
	[sflag:s0] =	ssyncset.done @!p0 $0x0  }
0xbe: {  	[sflag:s0] =	ssyncadd.s32 @!p0 s1  }
0xbf: {  	[bflag:$0x3] =	sbarrier.arrive $0xFFFF  }
0xc0: {  	_ =	shalt  }

</sc_bundles>
